<compile_context>
chip_gen: v7x
topology: tpu7x:2x2x1
jax: 0.10.2.dev20260603
libtpu: 0.0.44.dev20260713+nightly
codegen_flags: <defaults>
</compile_context>

<pallas_src>
import functools

import jax
import jax.numpy as jnp
from jax import lax
from jax.experimental import pallas as pl
from jax.experimental.pallas import tpu as pltpu
from jax.experimental.pallas import tpu_sc as plsc

NC, NS, L = 2, 16, 16
NW = NC * NS
B, H, E, O = 4096, 200, 64, 128
RPW = B // NW
HALF = H // 2
G = E // L

_MESH = plsc.VectorSubcoreMesh(core_axis_name="c", subcore_axis_name="s",
                               num_cores=NC, num_subcores=NS)


@functools.partial(
    pl.kernel,
    out_type=jax.ShapeDtypeStruct((B, E), jnp.float32),
    mesh=_MESH,
    scratch_types=[
        pltpu.VMEM((RPW, 2, HALF), jnp.int32),
        pltpu.VMEM((2, 2, HALF, E), jnp.float32),
        pltpu.VMEM((RPW, E), jnp.float32),
        pltpu.SemaphoreType.DMA,
        pltpu.SemaphoreType.DMA,
    ],
    compiler_params=pltpu.CompilerParams(use_tc_tiling_on_sc=False),
)
def _pool(tok_hbm, emb_hbm, out_hbm, idx_v, buf_v, acc_v, sem0, sem1):
    wid = lax.axis_index("s") * NC + lax.axis_index("c")
    base = wid * RPW
    pltpu.sync_copy(tok_hbm.at[wid], idx_v)

    sems = (sem0, sem1)

    def start(r, slot):
        pltpu.async_copy(emb_hbm.at[idx_v.at[r, 0]], buf_v.at[slot, 0],
                         sems[slot])
        pltpu.async_copy(emb_hbm.at[idx_v.at[r, 1]], buf_v.at[slot, 1],
                         sems[slot])

    def drain(slot):
        pltpu.make_async_copy(emb_hbm.at[idx_v.at[0, 0]],
                              buf_v.at[slot, 0], sems[slot]).wait()
        pltpu.make_async_copy(emb_hbm.at[idx_v.at[0, 1]],
                              buf_v.at[slot, 1], sems[slot]).wait()

    def consume(r, slot):
        def sum_body(i, accs):
            new = []
            for h in range(2):
                for g in range(G):
                    a = accs[h * G + g]
                    a = a + buf_v[slot, h, 2 * i, pl.ds(g * L, L)]
                    a = a + buf_v[slot, h, 2 * i + 1, pl.ds(g * L, L)]
                    new.append(a)
            return tuple(new)

        zeros = tuple(jnp.zeros((L,), jnp.float32) for _ in range(2 * G))
        accs = lax.fori_loop(0, HALF // 2, sum_body, zeros, unroll=2)
        for g in range(G):
            acc_v[r, pl.ds(g * L, L)] = accs[g] + accs[G + g]

    start(0, 0)

    def pair_body(rr, _):
        r0 = 2 * rr
        drain(0)
        start(r0 + 1, 1)
        consume(r0, 0)
        drain(1)

        @pl.when(rr < RPW // 2 - 1)
        def _():
            start(r0 + 2, 0)

        consume(r0 + 1, 1)
        return 0

    lax.fori_loop(0, RPW // 2, pair_body, 0)
    pltpu.sync_copy(acc_v, out_hbm.at[pl.ds(base, RPW)])


def _proj_body(p_ref, w_ref, b_ref, o_ref):
    pooled = p_ref[...] * jnp.float32(1.0 / H)
    o_ref[...] = jnp.dot(pooled, w_ref[...],
                         preferred_element_type=jnp.float32) + b_ref[...]


def _proj(pooled, W, b2):
    return pl.pallas_call(
        _proj_body,
        out_shape=jax.ShapeDtypeStruct((B, O), jnp.float32),
    )(pooled, W, b2)


def kernel(token_ids, embedding, W, b):
    tok = token_ids.reshape(NW, RPW, 2, HALF)
    pooled = _pool(tok, embedding)
    return _proj(pooled, W, b.reshape(1, O))

# --- scband reference (transcript-rebuilt; emitter-appended) ---
"""Pipeline reference for scband-text-encoder-3805341024556 (READ-ONLY COPY).

The authoritative reference and input builder live on the scoring server;
editing this copy changes nothing except your own understanding.
"""

import jax, jax.numpy as jnp
import numpy as np

VOCAB = 1000000
EMB_DIM = 64
OUT_DIM = 128
BATCH = 4096
HIST = 200


def setup_inputs(seed: int = 0) -> dict:
    key = jax.random.key(seed)
    k_tok, k_emb, k_w, k_b = jax.random.split(key, 4)
    token_ids = jax.random.randint(k_tok, (BATCH, HIST), 0, VOCAB, dtype=jnp.int64 if jax.config.jax_enable_x64 else jnp.int32).astype(jnp.int32)
    embedding = jax.random.normal(k_emb, (VOCAB, EMB_DIM), dtype=jnp.float32)
    W = jax.random.normal(k_w, (EMB_DIM, OUT_DIM), dtype=jnp.float32) * (1.0 / np.sqrt(EMB_DIM))
    b = jax.random.normal(k_b, (OUT_DIM,), dtype=jnp.float32) * 0.01
    return {"token_ids": token_ids, "embedding": embedding, "W": W, "b": b}


def reference(token_ids, embedding, W, b):
    # nn.Embedding lookup -> gather rows
    emb = jnp.take(embedding, token_ids, axis=0)  # [B, L, emb_dim]
    pooled = emb.mean(axis=1)                     # [B, emb_dim]
    out = pooled @ W + b                          # [B, out_dim]
    return out

if __name__ == "__main__":
    import jax
    _d = setup_inputs()
    print(jax.jit(kernel)(*tuple(_d.values())))

</pallas_src>

<mosaic_0001>
#map = affine_map<(d0, d1) -> (0, 0, 0, 0)>
#map1 = affine_map<(d0, d1) -> (0, 0)>
module attributes {stable_mosaic.version = 14 : i64} {
  func.func @_pool(%arg0: i32, %arg1: i32, %arg2: memref<32x128x2x100xi32, #tpu.memory_space<hbm>>, %arg3: memref<1000000x64xf32, #tpu.memory_space<hbm>>, %arg4: memref<4096x64xf32, #tpu.memory_space<hbm>>, %arg5: memref<128x2x100xi32, #tpu.memory_space<vmem>>, %arg6: memref<2x2x100x64xf32, #tpu.memory_space<vmem>>, %arg7: memref<128x64xf32, #tpu.memory_space<vmem>>, %arg8: memref<!tpu.dma_semaphore, #tpu.memory_space<semaphore_mem>>, %arg9: memref<!tpu.dma_semaphore, #tpu.memory_space<semaphore_mem>>) attributes {dimension_semantics = [#tpu.dimension_semantics<core_parallel>, #tpu.dimension_semantics<subcore_parallel>], iteration_bounds = array<i64: 2, 16>, scalar_prefetch = 0 : i64, scratch_operands = 5 : i64, tpu.core_type = #tpu.core_type<sc_vector_subcore>, window_params = [{transform_indices = #map}, {transform_indices = #map1}, {transform_indices = #map1}]} {
    %mul3A = arith.constant 2 : i32
    %mul3A_0 = arith.muli %arg1, %mul3A : i32
    %add3A = arith.addi %mul3A_0, %arg0 : i32
    %mul3A_1 = arith.constant 128 : i32
    %mul3A_2 = arith.muli %add3A, %mul3A_1 : i32
    "tpu.region"() ({
      %run_scoped3A = tpu.sem_alloc : memref<!tpu.dma_semaphore, #tpu.memory_space<semaphore_mem>>
      %dma_start3A_36 = arith.constant 0 : i32
      %dma_start3A_37 = arith.constant 0 : i32
      %dma_start3A_38 = arith.constant 0 : i32
      %dma_start3A_39 = tpu.memref_slice %arg2[%add3A, %dma_start3A_36, %dma_start3A_37, %dma_start3A_38] : memref<32x128x2x100xi32, #tpu.memory_space<hbm>> -> memref<1x128x2x100xi32, #tpu.memory_space<hbm>>
      %dma_start3A_40 = tpu.memref_squeeze %dma_start3A_39 : memref<1x128x2x100xi32, #tpu.memory_space<hbm>> -> memref<128x2x100xi32, #tpu.memory_space<hbm>>
      %dma_start3A_41 = arith.constant 0 : i32
      %dma_start3A_42 = arith.constant 0 : i32
      %dma_start3A_43 = arith.constant 0 : i32
      %dma_start3A_44 = tpu.memref_slice %arg2[%add3A, %dma_start3A_41, %dma_start3A_42, %dma_start3A_43] : memref<32x128x2x100xi32, #tpu.memory_space<hbm>> -> memref<1x128x2x100xi32, #tpu.memory_space<hbm>>
      %dma_start3A_45 = tpu.memref_squeeze %dma_start3A_44 : memref<1x128x2x100xi32, #tpu.memory_space<hbm>> -> memref<128x2x100xi32, #tpu.memory_space<hbm>>
      tpu.enqueue_dma source(%dma_start3A_45 : memref<128x2x100xi32, #tpu.memory_space<hbm>>) target(%arg5 : memref<128x2x100xi32, #tpu.memory_space<vmem>>) target_semaphore(%run_scoped3A : memref<!tpu.dma_semaphore, #tpu.memory_space<semaphore_mem>>)
      %dma_wait3A = arith.constant 0 : i32
      %dma_wait3A_46 = arith.constant 0 : i32
      %dma_wait3A_47 = arith.constant 0 : i32
      %dma_wait3A_48 = tpu.memref_slice %arg2[%add3A, %dma_wait3A, %dma_wait3A_46, %dma_wait3A_47] : memref<32x128x2x100xi32, #tpu.memory_space<hbm>> -> memref<1x128x2x100xi32, #tpu.memory_space<hbm>>
      %dma_wait3A_49 = tpu.memref_squeeze %dma_wait3A_48 : memref<1x128x2x100xi32, #tpu.memory_space<hbm>> -> memref<128x2x100xi32, #tpu.memory_space<hbm>>
      %dma_wait3A_50 = arith.constant 0 : i32
      %dma_wait3A_51 = arith.constant 0 : i32
      %dma_wait3A_52 = arith.constant 0 : i32
      %dma_wait3A_53 = tpu.memref_slice %arg2[%add3A, %dma_wait3A_50, %dma_wait3A_51, %dma_wait3A_52] : memref<32x128x2x100xi32, #tpu.memory_space<hbm>> -> memref<1x128x2x100xi32, #tpu.memory_space<hbm>>
      %dma_wait3A_54 = tpu.memref_squeeze %dma_wait3A_53 : memref<1x128x2x100xi32, #tpu.memory_space<hbm>> -> memref<128x2x100xi32, #tpu.memory_space<hbm>>
      tpu.wait_dma2 semaphore(%run_scoped3A : memref<!tpu.dma_semaphore, #tpu.memory_space<semaphore_mem>>) src(%dma_wait3A_54 : memref<128x2x100xi32, #tpu.memory_space<hbm>>) dst(%arg5 : memref<128x2x100xi32, #tpu.memory_space<vmem>>)
      tpu.yield
    }) : () -> ()
    %dma_start3A = arith.constant 0 : i32
    %dma_start3A_3 = arith.constant 0 : i32
    %dma_start3A_4 = arith.constant 0 : i32
    %dma_start3A_5 = arith.constant 0 : i32
    %dma_start3A_6 = arith.constant 0 : i32
    %dma_start3A_7 = arith.constant 0 : i32
    %dma_start3A_8 = tpu.memref_slice %arg6[%dma_start3A_4, %dma_start3A_5, %dma_start3A_6, %dma_start3A_7] : memref<2x2x100x64xf32, #tpu.memory_space<vmem>> -> memref<1x1x100x64xf32, #tpu.memory_space<vmem>>
    %dma_start3A_9 = tpu.memref_squeeze %dma_start3A_8 : memref<1x1x100x64xf32, #tpu.memory_space<vmem>> -> memref<100x64xf32, #tpu.memory_space<vmem>>
    %dma_start3A_10 = arith.constant 0 : i32
    %dma_start3A_11 = tpu.memref_slice %arg5[%dma_start3A, %dma_start3A_3, %dma_start3A_10] : memref<128x2x100xi32, #tpu.memory_space<vmem>> -> memref<1x1x100xi32, #tpu.memory_space<vmem>>
    %dma_start3A_12 = tpu.memref_squeeze %dma_start3A_11 : memref<1x1x100xi32, #tpu.memory_space<vmem>> -> memref<100xi32, #tpu.memory_space<vmem>>
    %dma_start3A_13 = arith.constant 0 : i32
    %dma_start3A_14 = arith.constant 0 : i32
    %dma_start3A_15 = tpu.memref_slice %arg3[%dma_start3A_13, %dma_start3A_14] : memref<1000000x64xf32, #tpu.memory_space<hbm>> -> memref<1000000x64xf32, #tpu.memory_space<hbm>>
    tpu.enqueue_indirect_dma source(%dma_start3A_15 : memref<1000000x64xf32, #tpu.memory_space<hbm>>) target(%dma_start3A_9 : memref<100x64xf32, #tpu.memory_space<vmem>>) offsets(%dma_start3A_12 : memref<100xi32, #tpu.memory_space<vmem>>) semaphore(%arg8 : memref<!tpu.dma_semaphore, #tpu.memory_space<semaphore_mem>>)
    %dma_start3A_16 = arith.constant 0 : i32
    %dma_start3A_17 = arith.constant 1 : i32
    %dma_start3A_18 = arith.constant 0 : i32
    %dma_start3A_19 = arith.constant 1 : i32
    %dma_start3A_20 = arith.constant 0 : i32
    %dma_start3A_21 = arith.constant 0 : i32
    %dma_start3A_22 = tpu.memref_slice %arg6[%dma_start3A_18, %dma_start3A_19, %dma_start3A_20, %dma_start3A_21] : memref<2x2x100x64xf32, #tpu.memory_space<vmem>> -> memref<1x1x100x64xf32, #tpu.memory_space<vmem>>
    %dma_start3A_23 = tpu.memref_squeeze %dma_start3A_22 : memref<1x1x100x64xf32, #tpu.memory_space<vmem>> -> memref<100x64xf32, #tpu.memory_space<vmem>>
    %dma_start3A_24 = arith.constant 0 : i32
    %dma_start3A_25 = tpu.memref_slice %arg5[%dma_start3A_16, %dma_start3A_17, %dma_start3A_24] : memref<128x2x100xi32, #tpu.memory_space<vmem>> -> memref<1x1x100xi32, #tpu.memory_space<vmem>>
    %dma_start3A_26 = tpu.memref_squeeze %dma_start3A_25 : memref<1x1x100xi32, #tpu.memory_space<vmem>> -> memref<100xi32, #tpu.memory_space<vmem>>
    %dma_start3A_27 = arith.constant 0 : i32
    %dma_start3A_28 = arith.constant 0 : i32
    %dma_start3A_29 = tpu.memref_slice %arg3[%dma_start3A_27, %dma_start3A_28] : memref<1000000x64xf32, #tpu.memory_space<hbm>> -> memref<1000000x64xf32, #tpu.memory_space<hbm>>
    tpu.enqueue_indirect_dma source(%dma_start3A_29 : memref<1000000x64xf32, #tpu.memory_space<hbm>>) target(%dma_start3A_23 : memref<100x64xf32, #tpu.memory_space<vmem>>) offsets(%dma_start3A_26 : memref<100xi32, #tpu.memory_space<vmem>>) semaphore(%arg8 : memref<!tpu.dma_semaphore, #tpu.memory_space<semaphore_mem>>)
    %scan3A = arith.constant 0 : i32
    %scan3A_30 = arith.constant 0 : i32
    %scan3A_31 = arith.constant 64 : i32
    %scan3A_32 = arith.addi %scan3A_30, %scan3A_31 : i32
    %scan3A_33 = arith.constant 1 : i32
    %scan3A_34 = scf.for %scan3A_36 = %scan3A_30 to %scan3A_32 step %scan3A_33 iter_args(%scan3A_37 = %scan3A) -> (i32)  : i32 {
      %mul3A_38 = arith.constant 2 : i32
      %mul3A_39 = arith.muli %mul3A_38, %scan3A_36 : i32
      %dma_wait3A = arith.constant 0 : i32
      %dma_wait3A_40 = arith.constant 0 : i32
      %dma_wait3A_41 = arith.constant 0 : i32
      %dma_wait3A_42 = arith.constant 0 : i32
      %dma_wait3A_43 = arith.constant 0 : i32
      %dma_wait3A_44 = arith.constant 0 : i32
      %dma_wait3A_45 = tpu.memref_slice %arg6[%dma_wait3A_41, %dma_wait3A_42, %dma_wait3A_43, %dma_wait3A_44] : memref<2x2x100x64xf32, #tpu.memory_space<vmem>> -> memref<1x1x100x64xf32, #tpu.memory_space<vmem>>
      %dma_wait3A_46 = tpu.memref_squeeze %dma_wait3A_45 : memref<1x1x100x64xf32, #tpu.memory_space<vmem>> -> memref<100x64xf32, #tpu.memory_space<vmem>>
      %dma_wait3A_47 = arith.constant 0 : i32
      %dma_wait3A_48 = tpu.memref_slice %arg5[%dma_wait3A, %dma_wait3A_40, %dma_wait3A_47] : memref<128x2x100xi32, #tpu.memory_space<vmem>> -> memref<1x1x100xi32, #tpu.memory_space<vmem>>
      %dma_wait3A_49 = tpu.memref_squeeze %dma_wait3A_48 : memref<1x1x100xi32, #tpu.memory_space<vmem>> -> memref<100xi32, #tpu.memory_space<vmem>>
      %dma_wait3A_50 = arith.constant 0 : i32
      %dma_wait3A_51 = arith.constant 0 : i32
      %dma_wait3A_52 = tpu.memref_slice %arg3[%dma_wait3A_50, %dma_wait3A_51] : memref<1000000x64xf32, #tpu.memory_space<hbm>> -> memref<1000000x64xf32, #tpu.memory_space<hbm>>
      tpu.wait_indirect_dma semaphore(%arg8 : memref<!tpu.dma_semaphore, #tpu.memory_space<semaphore_mem>>) src(%dma_wait3A_52 : memref<1000000x64xf32, #tpu.memory_space<hbm>>) dst(%dma_wait3A_46 : memref<100x64xf32, #tpu.memory_space<vmem>>)
      %dma_wait3A_53 = arith.constant 0 : i32
      %dma_wait3A_54 = arith.constant 1 : i32
      %dma_wait3A_55 = arith.constant 0 : i32
      %dma_wait3A_56 = arith.constant 1 : i32
      %dma_wait3A_57 = arith.constant 0 : i32
      %dma_wait3A_58 = arith.constant 0 : i32
      %dma_wait3A_59 = tpu.memref_slice %arg6[%dma_wait3A_55, %dma_wait3A_56, %dma_wait3A_57, %dma_wait3A_58] : memref<2x2x100x64xf32, #tpu.memory_space<vmem>> -> memref<1x1x100x64xf32, #tpu.memory_space<vmem>>
      %dma_wait3A_60 = tpu.memref_squeeze %dma_wait3A_59 : memref<1x1x100x64xf32, #tpu.memory_space<vmem>> -> memref<100x64xf32, #tpu.memory_space<vmem>>
      %dma_wait3A_61 = arith.constant 0 : i32
      %dma_wait3A_62 = tpu.memref_slice %arg5[%dma_wait3A_53, %dma_wait3A_54, %dma_wait3A_61] : memref<128x2x100xi32, #tpu.memory_space<vmem>> -> memref<1x1x100xi32, #tpu.memory_space<vmem>>
      %dma_wait3A_63 = tpu.memref_squeeze %dma_wait3A_62 : memref<1x1x100xi32, #tpu.memory_space<vmem>> -> memref<100xi32, #tpu.memory_space<vmem>>
      %dma_wait3A_64 = arith.constant 0 : i32
      %dma_wait3A_65 = arith.constant 0 : i32
      %dma_wait3A_66 = tpu.memref_slice %arg3[%dma_wait3A_64, %dma_wait3A_65] : memref<1000000x64xf32, #tpu.memory_space<hbm>> -> memref<1000000x64xf32, #tpu.memory_space<hbm>>
      tpu.wait_indirect_dma semaphore(%arg8 : memref<!tpu.dma_semaphore, #tpu.memory_space<semaphore_mem>>) src(%dma_wait3A_66 : memref<1000000x64xf32, #tpu.memory_space<hbm>>) dst(%dma_wait3A_60 : memref<100x64xf32, #tpu.memory_space<vmem>>)
      %add3A_67 = arith.constant 1 : i32
      %add3A_68 = arith.addi %mul3A_39, %add3A_67 : i32
      %dma_start3A_69 = arith.constant 0 : i32
      %dma_start3A_70 = arith.constant 1 : i32
      %dma_start3A_71 = arith.constant 0 : i32
      %dma_start3A_72 = arith.constant 0 : i32
      %dma_start3A_73 = arith.constant 0 : i32
      %dma_start3A_74 = tpu.memref_slice %arg6[%dma_start3A_70, %dma_start3A_71, %dma_start3A_72, %dma_start3A_73] : memref<2x2x100x64xf32, #tpu.memory_space<vmem>> -> memref<1x1x100x64xf32, #tpu.memory_space<vmem>>
      %dma_start3A_75 = tpu.memref_squeeze %dma_start3A_74 : memref<1x1x100x64xf32, #tpu.memory_space<vmem>> -> memref<100x64xf32, #tpu.memory_space<vmem>>
      %dma_start3A_76 = arith.constant 0 : i32
      %dma_start3A_77 = tpu.memref_slice %arg5[%add3A_68, %dma_start3A_69, %dma_start3A_76] : memref<128x2x100xi32, #tpu.memory_space<vmem>> -> memref<1x1x100xi32, #tpu.memory_space<vmem>>
      %dma_start3A_78 = tpu.memref_squeeze %dma_start3A_77 : memref<1x1x100xi32, #tpu.memory_space<vmem>> -> memref<100xi32, #tpu.memory_space<vmem>>
      %dma_start3A_79 = arith.constant 0 : i32
      %dma_start3A_80 = arith.constant 0 : i32
      %dma_start3A_81 = tpu.memref_slice %arg3[%dma_start3A_79, %dma_start3A_80] : memref<1000000x64xf32, #tpu.memory_space<hbm>> -> memref<1000000x64xf32, #tpu.memory_space<hbm>>
      tpu.enqueue_indirect_dma source(%dma_start3A_81 : memref<1000000x64xf32, #tpu.memory_space<hbm>>) target(%dma_start3A_75 : memref<100x64xf32, #tpu.memory_space<vmem>>) offsets(%dma_start3A_78 : memref<100xi32, #tpu.memory_space<vmem>>) semaphore(%arg9 : memref<!tpu.dma_semaphore, #tpu.memory_space<semaphore_mem>>)
      %dma_start3A_82 = arith.constant 1 : i32
      %dma_start3A_83 = arith.constant 1 : i32
      %dma_start3A_84 = arith.constant 1 : i32
      %dma_start3A_85 = arith.constant 0 : i32
      %dma_start3A_86 = arith.constant 0 : i32
      %dma_start3A_87 = tpu.memref_slice %arg6[%dma_start3A_83, %dma_start3A_84, %dma_start3A_85, %dma_start3A_86] : memref<2x2x100x64xf32, #tpu.memory_space<vmem>> -> memref<1x1x100x64xf32, #tpu.memory_space<vmem>>
      %dma_start3A_88 = tpu.memref_squeeze %dma_start3A_87 : memref<1x1x100x64xf32, #tpu.memory_space<vmem>> -> memref<100x64xf32, #tpu.memory_space<vmem>>
      %dma_start3A_89 = arith.constant 0 : i32
      %dma_start3A_90 = tpu.memref_slice %arg5[%add3A_68, %dma_start3A_82, %dma_start3A_89] : memref<128x2x100xi32, #tpu.memory_space<vmem>> -> memref<1x1x100xi32, #tpu.memory_space<vmem>>
      %dma_start3A_91 = tpu.memref_squeeze %dma_start3A_90 : memref<1x1x100xi32, #tpu.memory_space<vmem>> -> memref<100xi32, #tpu.memory_space<vmem>>
      %dma_start3A_92 = arith.constant 0 : i32
      %dma_start3A_93 = arith.constant 0 : i32
      %dma_start3A_94 = tpu.memref_slice %arg3[%dma_start3A_92, %dma_start3A_93] : memref<1000000x64xf32, #tpu.memory_space<hbm>> -> memref<1000000x64xf32, #tpu.memory_space<hbm>>
      tpu.enqueue_indirect_dma source(%dma_start3A_94 : memref<1000000x64xf32, #tpu.memory_space<hbm>>) target(%dma_start3A_88 : memref<100x64xf32, #tpu.memory_space<vmem>>) offsets(%dma_start3A_91 : memref<100xi32, #tpu.memory_space<vmem>>) semaphore(%arg9 : memref<!tpu.dma_semaphore, #tpu.memory_space<semaphore_mem>>)
      %broadcast_in_dim3A = arith.constant 0.000000e+00 : f32
      %broadcast_in_dim3A_95 = vector.broadcast %broadcast_in_dim3A : f32 to vector<16xf32>
      %broadcast_in_dim3A_96 = arith.constant 0.000000e+00 : f32
      %broadcast_in_dim3A_97 = vector.broadcast %broadcast_in_dim3A_96 : f32 to vector<16xf32>
      %broadcast_in_dim3A_98 = arith.constant 0.000000e+00 : f32
      %broadcast_in_dim3A_99 = vector.broadcast %broadcast_in_dim3A_98 : f32 to vector<16xf32>
      %broadcast_in_dim3A_100 = arith.constant 0.000000e+00 : f32
      %broadcast_in_dim3A_101 = vector.broadcast %broadcast_in_dim3A_100 : f32 to vector<16xf32>
      %broadcast_in_dim3A_102 = arith.constant 0.000000e+00 : f32
      %broadcast_in_dim3A_103 = vector.broadcast %broadcast_in_dim3A_102 : f32 to vector<16xf32>
      %broadcast_in_dim3A_104 = arith.constant 0.000000e+00 : f32
      %broadcast_in_dim3A_105 = vector.broadcast %broadcast_in_dim3A_104 : f32 to vector<16xf32>
      %broadcast_in_dim3A_106 = arith.constant 0.000000e+00 : f32
      %broadcast_in_dim3A_107 = vector.broadcast %broadcast_in_dim3A_106 : f32 to vector<16xf32>
      %broadcast_in_dim3A_108 = arith.constant 0.000000e+00 : f32
      %broadcast_in_dim3A_109 = vector.broadcast %broadcast_in_dim3A_108 : f32 to vector<16xf32>
      %scan3A_110 = arith.constant 0 : i32
      %scan3A_111 = arith.constant 50 : i32
      %scan3A_112 = arith.addi %scan3A_110, %scan3A_111 : i32
      %scan3A_113 = arith.constant 2 : i32
      %scan3A_114:8 = scf.for %scan3A_218 = %scan3A_110 to %scan3A_112 step %scan3A_113 iter_args(%scan3A_219 = %broadcast_in_dim3A_95, %scan3A_220 = %broadcast_in_dim3A_97, %scan3A_221 = %broadcast_in_dim3A_99, %scan3A_222 = %broadcast_in_dim3A_101, %scan3A_223 = %broadcast_in_dim3A_103, %scan3A_224 = %broadcast_in_dim3A_105, %scan3A_225 = %broadcast_in_dim3A_107, %scan3A_226 = %broadcast_in_dim3A_109) -> (vector<16xf32>, vector<16xf32>, vector<16xf32>, vector<16xf32>, vector<16xf32>, vector<16xf32>, vector<16xf32>, vector<16xf32>)  : i32 {
        %mul3A_227 = arith.constant 2 : i32
        %mul3A_228 = arith.muli %mul3A_227, %scan3A_218 : i32
        %get3A = arith.constant 0 : i32
        %get3A_229 = arith.constant 0 : i32
        %get3A_230 = arith.index_cast %get3A : i32 to index
        %get3A_231 = arith.index_cast %get3A_229 : i32 to index
        %get3A_232 = arith.index_cast %mul3A_228 : i32 to index
        %get3A_233 = arith.constant 0 : index
        %get3A_234 = tpu.vector_load %arg6[%get3A_230, %get3A_231, %get3A_232, %get3A_233] {strides = array<i32>} : memref<2x2x100x64xf32, #tpu.memory_space<vmem>>, vector<1x1x1x16xf32>,
        %get3A_235 = vector.shape_cast %get3A_234 : vector<1x1x1x16xf32> to vector<16xf32>
        %add3A_236 = arith.addf %scan3A_219, %get3A_235 : vector<16xf32>
        %mul3A_237 = arith.constant 2 : i32
        %mul3A_238 = arith.muli %mul3A_237, %scan3A_218 : i32
        %add3A_239 = arith.constant 1 : i32
        %add3A_240 = arith.addi %mul3A_238, %add3A_239 : i32
        %get3A_241 = arith.constant 0 : i32
        %get3A_242 = arith.constant 0 : i32
        %get3A_243 = arith.index_cast %get3A_241 : i32 to index
        %get3A_244 = arith.index_cast %get3A_242 : i32 to index
        %get3A_245 = arith.index_cast %add3A_240 : i32 to index
        %get3A_246 = arith.constant 0 : index
        %get3A_247 = tpu.vector_load %arg6[%get3A_243, %get3A_244, %get3A_245, %get3A_246] {strides = array<i32>} : memref<2x2x100x64xf32, #tpu.memory_space<vmem>>, vector<1x1x1x16xf32>,
        %get3A_248 = vector.shape_cast %get3A_247 : vector<1x1x1x16xf32> to vector<16xf32>
        %add3A_249 = arith.addf %add3A_236, %get3A_248 : vector<16xf32>
        %mul3A_250 = arith.constant 2 : i32
        %mul3A_251 = arith.muli %mul3A_250, %scan3A_218 : i32
        %get3A_252 = arith.constant 0 : i32
        %get3A_253 = arith.constant 0 : i32
        %get3A_254 = arith.index_cast %get3A_252 : i32 to index
        %get3A_255 = arith.index_cast %get3A_253 : i32 to index
        %get3A_256 = arith.index_cast %mul3A_251 : i32 to index
        %get3A_257 = arith.constant 16 : index
        %get3A_258 = tpu.vector_load %arg6[%get3A_254, %get3A_255, %get3A_256, %get3A_257] {strides = array<i32>} : memref<2x2x100x64xf32, #tpu.memory_space<vmem>>, vector<1x1x1x16xf32>,
        %get3A_259 = vector.shape_cast %get3A_258 : vector<1x1x1x16xf32> to vector<16xf32>
        %add3A_260 = arith.addf %scan3A_220, %get3A_259 : vector<16xf32>
        %mul3A_261 = arith.constant 2 : i32
        %mul3A_262 = arith.muli %mul3A_261, %scan3A_218 : i32
        %add3A_263 = arith.constant 1 : i32
        %add3A_264 = arith.addi %mul3A_262, %add3A_263 : i32
        %get3A_265 = arith.constant 0 : i32
        %get3A_266 = arith.constant 0 : i32
        %get3A_267 = arith.index_cast %get3A_265 : i32 to index
        %get3A_268 = arith.index_cast %get3A_266 : i32 to index
        %get3A_269 = arith.index_cast %add3A_264 : i32 to index
        %get3A_270 = arith.constant 16 : index
        %get3A_271 = tpu.vector_load %arg6[%get3A_267, %get3A_268, %get3A_269, %get3A_270] {strides = array<i32>} : memref<2x2x100x64xf32, #tpu.memory_space<vmem>>, vector<1x1x1x16xf32>,
        %get3A_272 = vector.shape_cast %get3A_271 : vector<1x1x1x16xf32> to vector<16xf32>
        %add3A_273 = arith.addf %add3A_260, %get3A_272 : vector<16xf32>
        %mul3A_274 = arith.constant 2 : i32
        %mul3A_275 = arith.muli %mul3A_274, %scan3A_218 : i32
        %get3A_276 = arith.constant 0 : i32
        %get3A_277 = arith.constant 0 : i32
        %get3A_278 = arith.index_cast %get3A_276 : i32 to index
        %get3A_279 = arith.index_cast %get3A_277 : i32 to index
        %get3A_280 = arith.index_cast %mul3A_275 : i32 to index
        %get3A_281 = arith.constant 32 : index
        %get3A_282 = tpu.vector_load %arg6[%get3A_278, %get3A_279, %get3A_280, %get3A_281] {strides = array<i32>} : memref<2x2x100x64xf32, #tpu.memory_space<vmem>>, vector<1x1x1x16xf32>,
        %get3A_283 = vector.shape_cast %get3A_282 : vector<1x1x1x16xf32> to vector<16xf32>
        %add3A_284 = arith.addf %scan3A_221, %get3A_283 : vector<16xf32>
        %mul3A_285 = arith.constant 2 : i32
        %mul3A_286 = arith.muli %mul3A_285, %scan3A_218 : i32
        %add3A_287 = arith.constant 1 : i32
        %add3A_288 = arith.addi %mul3A_286, %add3A_287 : i32
        %get3A_289 = arith.constant 0 : i32
        %get3A_290 = arith.constant 0 : i32
        %get3A_291 = arith.index_cast %get3A_289 : i32 to index
        %get3A_292 = arith.index_cast %get3A_290 : i32 to index
        %get3A_293 = arith.index_cast %add3A_288 : i32 to index
        %get3A_294 = arith.constant 32 : index
        %get3A_295 = tpu.vector_load %arg6[%get3A_291, %get3A_292, %get3A_293, %get3A_294] {strides = array<i32>} : memref<2x2x100x64xf32, #tpu.memory_space<vmem>>, vector<1x1x1x16xf32>,
        %get3A_296 = vector.shape_cast %get3A_295 : vector<1x1x1x16xf32> to vector<16xf32>
        %add3A_297 = arith.addf %add3A_284, %get3A_296 : vector<16xf32>
        %mul3A_298 = arith.constant 2 : i32
        %mul3A_299 = arith.muli %mul3A_298, %scan3A_218 : i32
        %get3A_300 = arith.constant 0 : i32
        %get3A_301 = arith.constant 0 : i32
        %get3A_302 = arith.index_cast %get3A_300 : i32 to index
        %get3A_303 = arith.index_cast %get3A_301 : i32 to index
        %get3A_304 = arith.index_cast %mul3A_299 : i32 to index
        %get3A_305 = arith.constant 48 : index
        %get3A_306 = tpu.vector_load %arg6[%get3A_302, %get3A_303, %get3A_304, %get3A_305] {strides = array<i32>} : memref<2x2x100x64xf32, #tpu.memory_space<vmem>>, vector<1x1x1x16xf32>,
        %get3A_307 = vector.shape_cast %get3A_306 : vector<1x1x1x16xf32> to vector<16xf32>
        %add3A_308 = arith.addf %scan3A_222, %get3A_307 : vector<16xf32>
        %mul3A_309 = arith.constant 2 : i32
        %mul3A_310 = arith.muli %mul3A_309, %scan3A_218 : i32
        %add3A_311 = arith.constant 1 : i32
        %add3A_312 = arith.addi %mul3A_310, %add3A_311 : i32
        %get3A_313 = arith.constant 0 : i32
        %get3A_314 = arith.constant 0 : i32
        %get3A_315 = arith.index_cast %get3A_313 : i32 to index
        %get3A_316 = arith.index_cast %get3A_314 : i32 to index
        %get3A_317 = arith.index_cast %add3A_312 : i32 to index
        %get3A_318 = arith.constant 48 : index
        %get3A_319 = tpu.vector_load %arg6[%get3A_315, %get3A_316, %get3A_317, %get3A_318] {strides = array<i32>} : memref<2x2x100x64xf32, #tpu.memory_space<vmem>>, vector<1x1x1x16xf32>,
        %get3A_320 = vector.shape_cast %get3A_319 : vector<1x1x1x16xf32> to vector<16xf32>
        %add3A_321 = arith.addf %add3A_308, %get3A_320 : vector<16xf32>
        %mul3A_322 = arith.constant 2 : i32
        %mul3A_323 = arith.muli %mul3A_322, %scan3A_218 : i32
        %get3A_324 = arith.constant 0 : i32
        %get3A_325 = arith.constant 1 : i32
        %get3A_326 = arith.index_cast %get3A_324 : i32 to index
        %get3A_327 = arith.index_cast %get3A_325 : i32 to index
        %get3A_328 = arith.index_cast %mul3A_323 : i32 to index
        %get3A_329 = arith.constant 0 : index
        %get3A_330 = tpu.vector_load %arg6[%get3A_326, %get3A_327, %get3A_328, %get3A_329] {strides = array<i32>} : memref<2x2x100x64xf32, #tpu.memory_space<vmem>>, vector<1x1x1x16xf32>,
        %get3A_331 = vector.shape_cast %get3A_330 : vector<1x1x1x16xf32> to vector<16xf32>
        %add3A_332 = arith.addf %scan3A_223, %get3A_331 : vector<16xf32>
        %mul3A_333 = arith.constant 2 : i32
        %mul3A_334 = arith.muli %mul3A_333, %scan3A_218 : i32
        %add3A_335 = arith.constant 1 : i32
        %add3A_336 = arith.addi %mul3A_334, %add3A_335 : i32
        %get3A_337 = arith.constant 0 : i32
        %get3A_338 = arith.constant 1 : i32
        %get3A_339 = arith.index_cast %get3A_337 : i32 to index
        %get3A_340 = arith.index_cast %get3A_338 : i32 to index
        %get3A_341 = arith.index_cast %add3A_336 : i32 to index
        %get3A_342 = arith.constant 0 : index
        %get3A_343 = tpu.vector_load %arg6[%get3A_339, %get3A_340, %get3A_341, %get3A_342] {strides = array<i32>} : memref<2x2x100x64xf32, #tpu.memory_space<vmem>>, vector<1x1x1x16xf32>,
        %get3A_344 = vector.shape_cast %get3A_343 : vector<1x1x1x16xf32> to vector<16xf32>
        %add3A_345 = arith.addf %add3A_332, %get3A_344 : vector<16xf32>
        %mul3A_346 = arith.constant 2 : i32
        %mul3A_347 = arith.muli %mul3A_346, %scan3A_218 : i32
        %get3A_348 = arith.constant 0 : i32
        %get3A_349 = arith.constant 1 : i32
        %get3A_350 = arith.index_cast %get3A_348 : i32 to index
        %get3A_351 = arith.index_cast %get3A_349 : i32 to index
        %get3A_352 = arith.index_cast %mul3A_347 : i32 to index
        %get3A_353 = arith.constant 16 : index
        %get3A_354 = tpu.vector_load %arg6[%get3A_350, %get3A_351, %get3A_352, %get3A_353] {strides = array<i32>} : memref<2x2x100x64xf32, #tpu.memory_space<vmem>>, vector<1x1x1x16xf32>,
        %get3A_355 = vector.shape_cast %get3A_354 : vector<1x1x1x16xf32> to vector<16xf32>
        %add3A_356 = arith.addf %scan3A_224, %get3A_355 : vector<16xf32>
        %mul3A_357 = arith.constant 2 : i32
        %mul3A_358 = arith.muli %mul3A_357, %scan3A_218 : i32
        %add3A_359 = arith.constant 1 : i32
        %add3A_360 = arith.addi %mul3A_358, %add3A_359 : i32
        %get3A_361 = arith.constant 0 : i32
        %get3A_362 = arith.constant 1 : i32
        %get3A_363 = arith.index_cast %get3A_361 : i32 to index
        %get3A_364 = arith.index_cast %get3A_362 : i32 to index
        %get3A_365 = arith.index_cast %add3A_360 : i32 to index
        %get3A_366 = arith.constant 16 : index
        %get3A_367 = tpu.vector_load %arg6[%get3A_363, %get3A_364, %get3A_365, %get3A_366] {strides = array<i32>} : memref<2x2x100x64xf32, #tpu.memory_space<vmem>>, vector<1x1x1x16xf32>,
        %get3A_368 = vector.shape_cast %get3A_367 : vector<1x1x1x16xf32> to vector<16xf32>
        %add3A_369 = arith.addf %add3A_356, %get3A_368 : vector<16xf32>
        %mul3A_370 = arith.constant 2 : i32
        %mul3A_371 = arith.muli %mul3A_370, %scan3A_218 : i32
        %get3A_372 = arith.constant 0 : i32
        %get3A_373 = arith.constant 1 : i32
        %get3A_374 = arith.index_cast %get3A_372 : i32 to index
        %get3A_375 = arith.index_cast %get3A_373 : i32 to index
        %get3A_376 = arith.index_cast %mul3A_371 : i32 to index
        %get3A_377 = arith.constant 32 : index
        %get3A_378 = tpu.vector_load %arg6[%get3A_374, %get3A_375, %get3A_376, %get3A_377] {strides = array<i32>} : memref<2x2x100x64xf32, #tpu.memory_space<vmem>>, vector<1x1x1x16xf32>,
        %get3A_379 = vector.shape_cast %get3A_378 : vector<1x1x1x16xf32> to vector<16xf32>
        %add3A_380 = arith.addf %scan3A_225, %get3A_379 : vector<16xf32>
        %mul3A_381 = arith.constant 2 : i32
        %mul3A_382 = arith.muli %mul3A_381, %scan3A_218 : i32
        %add3A_383 = arith.constant 1 : i32
        %add3A_384 = arith.addi %mul3A_382, %add3A_383 : i32
        %get3A_385 = arith.constant 0 : i32
        %get3A_386 = arith.constant 1 : i32
        %get3A_387 = arith.index_cast %get3A_385 : i32 to index
        %get3A_388 = arith.index_cast %get3A_386 : i32 to index
        %get3A_389 = arith.index_cast %add3A_384 : i32 to index
        %get3A_390 = arith.constant 32 : index
        %get3A_391 = tpu.vector_load %arg6[%get3A_387, %get3A_388, %get3A_389, %get3A_390] {strides = array<i32>} : memref<2x2x100x64xf32, #tpu.memory_space<vmem>>, vector<1x1x1x16xf32>,
        %get3A_392 = vector.shape_cast %get3A_391 : vector<1x1x1x16xf32> to vector<16xf32>
        %add3A_393 = arith.addf %add3A_380, %get3A_392 : vector<16xf32>
        %mul3A_394 = arith.constant 2 : i32
        %mul3A_395 = arith.muli %mul3A_394, %scan3A_218 : i32
        %get3A_396 = arith.constant 0 : i32
        %get3A_397 = arith.constant 1 : i32
        %get3A_398 = arith.index_cast %get3A_396 : i32 to index
        %get3A_399 = arith.index_cast %get3A_397 : i32 to index
        %get3A_400 = arith.index_cast %mul3A_395 : i32 to index
        %get3A_401 = arith.constant 48 : index
        %get3A_402 = tpu.vector_load %arg6[%get3A_398, %get3A_399, %get3A_400, %get3A_401] {strides = array<i32>} : memref<2x2x100x64xf32, #tpu.memory_space<vmem>>, vector<1x1x1x16xf32>,
        %get3A_403 = vector.shape_cast %get3A_402 : vector<1x1x1x16xf32> to vector<16xf32>
        %add3A_404 = arith.addf %scan3A_226, %get3A_403 : vector<16xf32>
        %mul3A_405 = arith.constant 2 : i32
        %mul3A_406 = arith.muli %mul3A_405, %scan3A_218 : i32
        %add3A_407 = arith.constant 1 : i32
        %add3A_408 = arith.addi %mul3A_406, %add3A_407 : i32
        %get3A_409 = arith.constant 0 : i32
        %get3A_410 = arith.constant 1 : i32
        %get3A_411 = arith.index_cast %get3A_409 : i32 to index
        %get3A_412 = arith.index_cast %get3A_410 : i32 to index
        %get3A_413 = arith.index_cast %add3A_408 : i32 to index
        %get3A_414 = arith.constant 48 : index
        %get3A_415 = tpu.vector_load %arg6[%get3A_411, %get3A_412, %get3A_413, %get3A_414] {strides = array<i32>} : memref<2x2x100x64xf32, #tpu.memory_space<vmem>>, vector<1x1x1x16xf32>,
        %get3A_416 = vector.shape_cast %get3A_415 : vector<1x1x1x16xf32> to vector<16xf32>
        %add3A_417 = arith.addf %add3A_404, %get3A_416 : vector<16xf32>
        %scan3A_418 = arith.constant 1 : i32
        %scan3A_419 = arith.addi %scan3A_218, %scan3A_418 : i32
        %mul3A_420 = arith.constant 2 : i32
        %mul3A_421 = arith.muli %mul3A_420, %scan3A_419 : i32
        %get3A_422 = arith.constant 0 : i32
        %get3A_423 = arith.constant 0 : i32
        %get3A_424 = arith.index_cast %get3A_422 : i32 to index
        %get3A_425 = arith.index_cast %get3A_423 : i32 to index
        %get3A_426 = arith.index_cast %mul3A_421 : i32 to index
        %get3A_427 = arith.constant 0 : index
        %get3A_428 = tpu.vector_load %arg6[%get3A_424, %get3A_425, %get3A_426, %get3A_427] {strides = array<i32>} : memref<2x2x100x64xf32, #tpu.memory_space<vmem>>, vector<1x1x1x16xf32>,
        %get3A_429 = vector.shape_cast %get3A_428 : vector<1x1x1x16xf32> to vector<16xf32>
        %add3A_430 = arith.addf %add3A_249, %get3A_429 : vector<16xf32>
        %mul3A_431 = arith.constant 2 : i32
        %mul3A_432 = arith.muli %mul3A_431, %scan3A_419 : i32
        %add3A_433 = arith.constant 1 : i32
        %add3A_434 = arith.addi %mul3A_432, %add3A_433 : i32
        %get3A_435 = arith.constant 0 : i32
        %get3A_436 = arith.constant 0 : i32
        %get3A_437 = arith.index_cast %get3A_435 : i32 to index
        %get3A_438 = arith.index_cast %get3A_436 : i32 to index
        %get3A_439 = arith.index_cast %add3A_434 : i32 to index
        %get3A_440 = arith.constant 0 : index
        %get3A_441 = tpu.vector_load %arg6[%get3A_437, %get3A_438, %get3A_439, %get3A_440] {strides = array<i32>} : memref<2x2x100x64xf32, #tpu.memory_space<vmem>>, vector<1x1x1x16xf32>,
        %get3A_442 = vector.shape_cast %get3A_441 : vector<1x1x1x16xf32> to vector<16xf32>
        %add3A_443 = arith.addf %add3A_430, %get3A_442 : vector<16xf32>
        %mul3A_444 = arith.constant 2 : i32
        %mul3A_445 = arith.muli %mul3A_444, %scan3A_419 : i32
        %get3A_446 = arith.constant 0 : i32
        %get3A_447 = arith.constant 0 : i32
        %get3A_448 = arith.index_cast %get3A_446 : i32 to index
        %get3A_449 = arith.index_cast %get3A_447 : i32 to index
        %get3A_450 = arith.index_cast %mul3A_445 : i32 to index
        %get3A_451 = arith.constant 16 : index
        %get3A_452 = tpu.vector_load %arg6[%get3A_448, %get3A_449, %get3A_450, %get3A_451] {strides = array<i32>} : memref<2x2x100x64xf32, #tpu.memory_space<vmem>>, vector<1x1x1x16xf32>,
        %get3A_453 = vector.shape_cast %get3A_452 : vector<1x1x1x16xf32> to vector<16xf32>
        %add3A_454 = arith.addf %add3A_273, %get3A_453 : vector<16xf32>
        %mul3A_455 = arith.constant 2 : i32
        %mul3A_456 = arith.muli %mul3A_455, %scan3A_419 : i32
        %add3A_457 = arith.constant 1 : i32
        %add3A_458 = arith.addi %mul3A_456, %add3A_457 : i32
        %get3A_459 = arith.constant 0 : i32
        %get3A_460 = arith.constant 0 : i32
        %get3A_461 = arith.index_cast %get3A_459 : i32 to index
        %get3A_462 = arith.index_cast %get3A_460 : i32 to index
        %get3A_463 = arith.index_cast %add3A_458 : i32 to index
        %get3A_464 = arith.constant 16 : index
        %get3A_465 = tpu.vector_load %arg6[%get3A_461, %get3A_462, %get3A_463, %get3A_464] {strides = array<i32>} : memref<2x2x100x64xf32, #tpu.memory_space<vmem>>, vector<1x1x1x16xf32>,
        %get3A_466 = vector.shape_cast %get3A_465 : vector<1x1x1x16xf32> to vector<16xf32>
        %add3A_467 = arith.addf %add3A_454, %get3A_466 : vector<16xf32>
        %mul3A_468 = arith.constant 2 : i32
        %mul3A_469 = arith.muli %mul3A_468, %scan3A_419 : i32
        %get3A_470 = arith.constant 0 : i32
        %get3A_471 = arith.constant 0 : i32
        %get3A_472 = arith.index_cast %get3A_470 : i32 to index
        %get3A_473 = arith.index_cast %get3A_471 : i32 to index
        %get3A_474 = arith.index_cast %mul3A_469 : i32 to index
        %get3A_475 = arith.constant 32 : index
        %get3A_476 = tpu.vector_load %arg6[%get3A_472, %get3A_473, %get3A_474, %get3A_475] {strides = array<i32>} : memref<2x2x100x64xf32, #tpu.memory_space<vmem>>, vector<1x1x1x16xf32>,
        %get3A_477 = vector.shape_cast %get3A_476 : vector<1x1x1x16xf32> to vector<16xf32>
        %add3A_478 = arith.addf %add3A_297, %get3A_477 : vector<16xf32>
        %mul3A_479 = arith.constant 2 : i32
        %mul3A_480 = arith.muli %mul3A_479, %scan3A_419 : i32
        %add3A_481 = arith.constant 1 : i32
        %add3A_482 = arith.addi %mul3A_480, %add3A_481 : i32
        %get3A_483 = arith.constant 0 : i32
        %get3A_484 = arith.constant 0 : i32
        %get3A_485 = arith.index_cast %get3A_483 : i32 to index
        %get3A_486 = arith.index_cast %get3A_484 : i32 to index
        %get3A_487 = arith.index_cast %add3A_482 : i32 to index
        %get3A_488 = arith.constant 32 : index
        %get3A_489 = tpu.vector_load %arg6[%get3A_485, %get3A_486, %get3A_487, %get3A_488] {strides = array<i32>} : memref<2x2x100x64xf32, #tpu.memory_space<vmem>>, vector<1x1x1x16xf32>,
        %get3A_490 = vector.shape_cast %get3A_489 : vector<1x1x1x16xf32> to vector<16xf32>
        %add3A_491 = arith.addf %add3A_478, %get3A_490 : vector<16xf32>
        %mul3A_492 = arith.constant 2 : i32
        %mul3A_493 = arith.muli %mul3A_492, %scan3A_419 : i32
        %get3A_494 = arith.constant 0 : i32
        %get3A_495 = arith.constant 0 : i32
        %get3A_496 = arith.index_cast %get3A_494 : i32 to index
        %get3A_497 = arith.index_cast %get3A_495 : i32 to index
        %get3A_498 = arith.index_cast %mul3A_493 : i32 to index
        %get3A_499 = arith.constant 48 : index
        %get3A_500 = tpu.vector_load %arg6[%get3A_496, %get3A_497, %get3A_498, %get3A_499] {strides = array<i32>} : memref<2x2x100x64xf32, #tpu.memory_space<vmem>>, vector<1x1x1x16xf32>,
        %get3A_501 = vector.shape_cast %get3A_500 : vector<1x1x1x16xf32> to vector<16xf32>
        %add3A_502 = arith.addf %add3A_321, %get3A_501 : vector<16xf32>
        %mul3A_503 = arith.constant 2 : i32
        %mul3A_504 = arith.muli %mul3A_503, %scan3A_419 : i32
        %add3A_505 = arith.constant 1 : i32
        %add3A_506 = arith.addi %mul3A_504, %add3A_505 : i32
        %get3A_507 = arith.constant 0 : i32
        %get3A_508 = arith.constant 0 : i32
        %get3A_509 = arith.index_cast %get3A_507 : i32 to index
        %get3A_510 = arith.index_cast %get3A_508 : i32 to index
        %get3A_511 = arith.index_cast %add3A_506 : i32 to index
        %get3A_512 = arith.constant 48 : index
        %get3A_513 = tpu.vector_load %arg6[%get3A_509, %get3A_510, %get3A_511, %get3A_512] {strides = array<i32>} : memref<2x2x100x64xf32, #tpu.memory_space<vmem>>, vector<1x1x1x16xf32>,
        %get3A_514 = vector.shape_cast %get3A_513 : vector<1x1x1x16xf32> to vector<16xf32>
        %add3A_515 = arith.addf %add3A_502, %get3A_514 : vector<16xf32>
        %mul3A_516 = arith.constant 2 : i32
        %mul3A_517 = arith.muli %mul3A_516, %scan3A_419 : i32
        %get3A_518 = arith.constant 0 : i32
        %get3A_519 = arith.constant 1 : i32
        %get3A_520 = arith.index_cast %get3A_518 : i32 to index
        %get3A_521 = arith.index_cast %get3A_519 : i32 to index
        %get3A_522 = arith.index_cast %mul3A_517 : i32 to index
        %get3A_523 = arith.constant 0 : index
        %get3A_524 = tpu.vector_load %arg6[%get3A_520, %get3A_521, %get3A_522, %get3A_523] {strides = array<i32>} : memref<2x2x100x64xf32, #tpu.memory_space<vmem>>, vector<1x1x1x16xf32>,
        %get3A_525 = vector.shape_cast %get3A_524 : vector<1x1x1x16xf32> to vector<16xf32>
        %add3A_526 = arith.addf %add3A_345, %get3A_525 : vector<16xf32>
        %mul3A_527 = arith.constant 2 : i32
        %mul3A_528 = arith.muli %mul3A_527, %scan3A_419 : i32
        %add3A_529 = arith.constant 1 : i32
        %add3A_530 = arith.addi %mul3A_528, %add3A_529 : i32
        %get3A_531 = arith.constant 0 : i32
        %get3A_532 = arith.constant 1 : i32
        %get3A_533 = arith.index_cast %get3A_531 : i32 to index
        %get3A_534 = arith.index_cast %get3A_532 : i32 to index
        %get3A_535 = arith.index_cast %add3A_530 : i32 to index
        %get3A_536 = arith.constant 0 : index
        %get3A_537 = tpu.vector_load %arg6[%get3A_533, %get3A_534, %get3A_535, %get3A_536] {strides = array<i32>} : memref<2x2x100x64xf32, #tpu.memory_space<vmem>>, vector<1x1x1x16xf32>,
        %get3A_538 = vector.shape_cast %get3A_537 : vector<1x1x1x16xf32> to vector<16xf32>
        %add3A_539 = arith.addf %add3A_526, %get3A_538 : vector<16xf32>
        %mul3A_540 = arith.constant 2 : i32
        %mul3A_541 = arith.muli %mul3A_540, %scan3A_419 : i32
        %get3A_542 = arith.constant 0 : i32
        %get3A_543 = arith.constant 1 : i32
        %get3A_544 = arith.index_cast %get3A_542 : i32 to index
        %get3A_545 = arith.index_cast %get3A_543 : i32 to index
        %get3A_546 = arith.index_cast %mul3A_541 : i32 to index
        %get3A_547 = arith.constant 16 : index
        %get3A_548 = tpu.vector_load %arg6[%get3A_544, %get3A_545, %get3A_546, %get3A_547] {strides = array<i32>} : memref<2x2x100x64xf32, #tpu.memory_space<vmem>>, vector<1x1x1x16xf32>,
        %get3A_549 = vector.shape_cast %get3A_548 : vector<1x1x1x16xf32> to vector<16xf32>
        %add3A_550 = arith.addf %add3A_369, %get3A_549 : vector<16xf32>
        %mul3A_551 = arith.constant 2 : i32
        %mul3A_552 = arith.muli %mul3A_551, %scan3A_419 : i32
        %add3A_553 = arith.constant 1 : i32
        %add3A_554 = arith.addi %mul3A_552, %add3A_553 : i32
        %get3A_555 = arith.constant 0 : i32
        %get3A_556 = arith.constant 1 : i32
        %get3A_557 = arith.index_cast %get3A_555 : i32 to index
        %get3A_558 = arith.index_cast %get3A_556 : i32 to index
        %get3A_559 = arith.index_cast %add3A_554 : i32 to index
        %get3A_560 = arith.constant 16 : index
        %get3A_561 = tpu.vector_load %arg6[%get3A_557, %get3A_558, %get3A_559, %get3A_560] {strides = array<i32>} : memref<2x2x100x64xf32, #tpu.memory_space<vmem>>, vector<1x1x1x16xf32>,
        %get3A_562 = vector.shape_cast %get3A_561 : vector<1x1x1x16xf32> to vector<16xf32>
        %add3A_563 = arith.addf %add3A_550, %get3A_562 : vector<16xf32>
        %mul3A_564 = arith.constant 2 : i32
        %mul3A_565 = arith.muli %mul3A_564, %scan3A_419 : i32
        %get3A_566 = arith.constant 0 : i32
        %get3A_567 = arith.constant 1 : i32
        %get3A_568 = arith.index_cast %get3A_566 : i32 to index
        %get3A_569 = arith.index_cast %get3A_567 : i32 to index
        %get3A_570 = arith.index_cast %mul3A_565 : i32 to index
        %get3A_571 = arith.constant 32 : index
        %get3A_572 = tpu.vector_load %arg6[%get3A_568, %get3A_569, %get3A_570, %get3A_571] {strides = array<i32>} : memref<2x2x100x64xf32, #tpu.memory_space<vmem>>, vector<1x1x1x16xf32>,
        %get3A_573 = vector.shape_cast %get3A_572 : vector<1x1x1x16xf32> to vector<16xf32>
        %add3A_574 = arith.addf %add3A_393, %get3A_573 : vector<16xf32>
        %mul3A_575 = arith.constant 2 : i32
        %mul3A_576 = arith.muli %mul3A_575, %scan3A_419 : i32
        %add3A_577 = arith.constant 1 : i32
        %add3A_578 = arith.addi %mul3A_576, %add3A_577 : i32
        %get3A_579 = arith.constant 0 : i32
        %get3A_580 = arith.constant 1 : i32
        %get3A_581 = arith.index_cast %get3A_579 : i32 to index
        %get3A_582 = arith.index_cast %get3A_580 : i32 to index
        %get3A_583 = arith.index_cast %add3A_578 : i32 to index
        %get3A_584 = arith.constant 32 : index
        %get3A_585 = tpu.vector_load %arg6[%get3A_581, %get3A_582, %get3A_583, %get3A_584] {strides = array<i32>} : memref<2x2x100x64xf32, #tpu.memory_space<vmem>>, vector<1x1x1x16xf32>,
        %get3A_586 = vector.shape_cast %get3A_585 : vector<1x1x1x16xf32> to vector<16xf32>
        %add3A_587 = arith.addf %add3A_574, %get3A_586 : vector<16xf32>
        %mul3A_588 = arith.constant 2 : i32
        %mul3A_589 = arith.muli %mul3A_588, %scan3A_419 : i32
        %get3A_590 = arith.constant 0 : i32
        %get3A_591 = arith.constant 1 : i32
        %get3A_592 = arith.index_cast %get3A_590 : i32 to index
        %get3A_593 = arith.index_cast %get3A_591 : i32 to index
        %get3A_594 = arith.index_cast %mul3A_589 : i32 to index
        %get3A_595 = arith.constant 48 : index
        %get3A_596 = tpu.vector_load %arg6[%get3A_592, %get3A_593, %get3A_594, %get3A_595] {strides = array<i32>} : memref<2x2x100x64xf32, #tpu.memory_space<vmem>>, vector<1x1x1x16xf32>,
        %get3A_597 = vector.shape_cast %get3A_596 : vector<1x1x1x16xf32> to vector<16xf32>
        %add3A_598 = arith.addf %add3A_417, %get3A_597 : vector<16xf32>
        %mul3A_599 = arith.constant 2 : i32
        %mul3A_600 = arith.muli %mul3A_599, %scan3A_419 : i32
        %add3A_601 = arith.constant 1 : i32
        %add3A_602 = arith.addi %mul3A_600, %add3A_601 : i32
        %get3A_603 = arith.constant 0 : i32
        %get3A_604 = arith.constant 1 : i32
        %get3A_605 = arith.index_cast %get3A_603 : i32 to index
        %get3A_606 = arith.index_cast %get3A_604 : i32 to index
        %get3A_607 = arith.index_cast %add3A_602 : i32 to index
        %get3A_608 = arith.constant 48 : index
        %get3A_609 = tpu.vector_load %arg6[%get3A_605, %get3A_606, %get3A_607, %get3A_608] {strides = array<i32>} : memref<2x2x100x64xf32, #tpu.memory_space<vmem>>, vector<1x1x1x16xf32>,
        %get3A_610 = vector.shape_cast %get3A_609 : vector<1x1x1x16xf32> to vector<16xf32>
        %add3A_611 = arith.addf %add3A_598, %get3A_610 : vector<16xf32>
        scf.yield %add3A_443, %add3A_467, %add3A_491, %add3A_515, %add3A_539, %add3A_563, %add3A_587, %add3A_611 : vector<16xf32>, vector<16xf32>, vector<16xf32>, vector<16xf32>, vector<16xf32>, vector<16xf32>, vector<16xf32>, vector<16xf32>
      }
      %scan3A_115 = arith.constant 50 : i32
      %add3A_116 = arith.addf %scan3A_114#0, %scan3A_114#4 : vector<16xf32>
      %swap3A = arith.index_cast %mul3A_39 : i32 to index
      %swap3A_117 = arith.constant 0 : index
      %swap3A_118 = tpu.vector_load %arg7[%swap3A, %swap3A_117] {strides = array<i32>} : memref<128x64xf32, #tpu.memory_space<vmem>>, vector<1x16xf32>,
      %swap3A_119 = vector.shape_cast %swap3A_118 : vector<1x16xf32> to vector<16xf32>
      %swap3A_120 = vector.shape_cast %add3A_116 : vector<16xf32> to vector<1x16xf32>
      tpu.vector_store %arg7[%swap3A, %swap3A_117], %swap3A_120 {strides = array<i32>} : memref<128x64xf32, #tpu.memory_space<vmem>>, vector<1x16xf32>,
      %add3A_121 = arith.addf %scan3A_114#1, %scan3A_114#5 : vector<16xf32>
      %swap3A_122 = arith.index_cast %mul3A_39 : i32 to index
      %swap3A_123 = arith.constant 16 : index
      %swap3A_124 = tpu.vector_load %arg7[%swap3A_122, %swap3A_123] {strides = array<i32>} : memref<128x64xf32, #tpu.memory_space<vmem>>, vector<1x16xf32>,
      %swap3A_125 = vector.shape_cast %swap3A_124 : vector<1x16xf32> to vector<16xf32>
      %swap3A_126 = vector.shape_cast %add3A_121 : vector<16xf32> to vector<1x16xf32>
      tpu.vector_store %arg7[%swap3A_122, %swap3A_123], %swap3A_126 {strides = array<i32>} : memref<128x64xf32, #tpu.memory_space<vmem>>, vector<1x16xf32>,
      %add3A_127 = arith.addf %scan3A_114#2, %scan3A_114#6 : vector<16xf32>
      %swap3A_128 = arith.index_cast %mul3A_39 : i32 to index
      %swap3A_129 = arith.constant 32 : index
      %swap3A_130 = tpu.vector_load %arg7[%swap3A_128, %swap3A_129] {strides = array<i32>} : memref<128x64xf32, #tpu.memory_space<vmem>>, vector<1x16xf32>,
      %swap3A_131 = vector.shape_cast %swap3A_130 : vector<1x16xf32> to vector<16xf32>
      %swap3A_132 = vector.shape_cast %add3A_127 : vector<16xf32> to vector<1x16xf32>
      tpu.vector_store %arg7[%swap3A_128, %swap3A_129], %swap3A_132 {strides = array<i32>} : memref<128x64xf32, #tpu.memory_space<vmem>>, vector<1x16xf32>,
      %add3A_133 = arith.addf %scan3A_114#3, %scan3A_114#7 : vector<16xf32>
      %swap3A_134 = arith.index_cast %mul3A_39 : i32 to index
      %swap3A_135 = arith.constant 48 : index
      %swap3A_136 = tpu.vector_load %arg7[%swap3A_134, %swap3A_135] {strides = array<i32>} : memref<128x64xf32, #tpu.memory_space<vmem>>, vector<1x16xf32>,
      %swap3A_137 = vector.shape_cast %swap3A_136 : vector<1x16xf32> to vector<16xf32>
      %swap3A_138 = vector.shape_cast %add3A_133 : vector<16xf32> to vector<1x16xf32>
      tpu.vector_store %arg7[%swap3A_134, %swap3A_135], %swap3A_138 {strides = array<i32>} : memref<128x64xf32, #tpu.memory_space<vmem>>, vector<1x16xf32>,
      %dma_wait3A_139 = arith.constant 0 : i32
      %dma_wait3A_140 = arith.constant 0 : i32
      %dma_wait3A_141 = arith.constant 1 : i32
      %dma_wait3A_142 = arith.constant 0 : i32
      %dma_wait3A_143 = arith.constant 0 : i32
      %dma_wait3A_144 = arith.constant 0 : i32
      %dma_wait3A_145 = tpu.memref_slice %arg6[%dma_wait3A_141, %dma_wait3A_142, %dma_wait3A_143, %dma_wait3A_144] : memref<2x2x100x64xf32, #tpu.memory_space<vmem>> -> memref<1x1x100x64xf32, #tpu.memory_space<vmem>>
      %dma_wait3A_146 = tpu.memref_squeeze %dma_wait3A_145 : memref<1x1x100x64xf32, #tpu.memory_space<vmem>> -> memref<100x64xf32, #tpu.memory_space<vmem>>
      %dma_wait3A_147 = arith.constant 0 : i32
      %dma_wait3A_148 = tpu.memref_slice %arg5[%dma_wait3A_139, %dma_wait3A_140, %dma_wait3A_147] : memref<128x2x100xi32, #tpu.memory_space<vmem>> -> memref<1x1x100xi32, #tpu.memory_space<vmem>>
      %dma_wait3A_149 = tpu.memref_squeeze %dma_wait3A_148 : memref<1x1x100xi32, #tpu.memory_space<vmem>> -> memref<100xi32, #tpu.memory_space<vmem>>
      %dma_wait3A_150 = arith.constant 0 : i32
      %dma_wait3A_151 = arith.constant 0 : i32
      %dma_wait3A_152 = tpu.memref_slice %arg3[%dma_wait3A_150, %dma_wait3A_151] : memref<1000000x64xf32, #tpu.memory_space<hbm>> -> memref<1000000x64xf32, #tpu.memory_space<hbm>>
      tpu.wait_indirect_dma semaphore(%arg9 : memref<!tpu.dma_semaphore, #tpu.memory_space<semaphore_mem>>) src(%dma_wait3A_152 : memref<1000000x64xf32, #tpu.memory_space<hbm>>) dst(%dma_wait3A_146 : memref<100x64xf32, #tpu.memory_space<vmem>>)
      %dma_wait3A_153 = arith.constant 0 : i32
      %dma_wait3A_154 = arith.constant 1 : i32
      %dma_wait3A_155 = arith.constant 1 : i32
      %dma_wait3A_156 = arith.constant 1 : i32
      %dma_wait3A_157 = arith.constant 0 : i32
      %dma_wait3A_158 = arith.constant 0 : i32
      %dma_wait3A_159 = tpu.memref_slice %arg6[%dma_wait3A_155, %dma_wait3A_156, %dma_wait3A_157, %dma_wait3A_158] : memref<2x2x100x64xf32, #tpu.memory_space<vmem>> -> memref<1x1x100x64xf32, #tpu.memory_space<vmem>>
      %dma_wait3A_160 = tpu.memref_squeeze %dma_wait3A_159 : memref<1x1x100x64xf32, #tpu.memory_space<vmem>> -> memref<100x64xf32, #tpu.memory_space<vmem>>
      %dma_wait3A_161 = arith.constant 0 : i32
      %dma_wait3A_162 = tpu.memref_slice %arg5[%dma_wait3A_153, %dma_wait3A_154, %dma_wait3A_161] : memref<128x2x100xi32, #tpu.memory_space<vmem>> -> memref<1x1x100xi32, #tpu.memory_space<vmem>>
      %dma_wait3A_163 = tpu.memref_squeeze %dma_wait3A_162 : memref<1x1x100xi32, #tpu.memory_space<vmem>> -> memref<100xi32, #tpu.memory_space<vmem>>
      %dma_wait3A_164 = arith.constant 0 : i32
      %dma_wait3A_165 = arith.constant 0 : i32
      %dma_wait3A_166 = tpu.memref_slice %arg3[%dma_wait3A_164, %dma_wait3A_165] : memref<1000000x64xf32, #tpu.memory_space<hbm>> -> memref<1000000x64xf32, #tpu.memory_space<hbm>>
      tpu.wait_indirect_dma semaphore(%arg9 : memref<!tpu.dma_semaphore, #tpu.memory_space<semaphore_mem>>) src(%dma_wait3A_166 : memref<1000000x64xf32, #tpu.memory_space<hbm>>) dst(%dma_wait3A_160 : memref<100x64xf32, #tpu.memory_space<vmem>>)
      %lt3A = arith.constant 63 : i32
      %lt3A_167 = arith.cmpi slt, %scan3A_36, %lt3A : i32
      %convert_element_type3A = arith.extui %lt3A_167 : i1 to i32
      %cond3A = arith.constant 0 : i32
      %cond3A_168 = arith.cmpi ne, %convert_element_type3A, %cond3A : i32
      scf.if %cond3A_168 {
        %add3A_218 = arith.constant 2 : i32
        %add3A_219 = arith.addi %mul3A_39, %add3A_218 : i32
        %dma_start3A_220 = arith.constant 0 : i32
        %dma_start3A_221 = arith.constant 0 : i32
        %dma_start3A_222 = arith.constant 0 : i32
        %dma_start3A_223 = arith.constant 0 : i32
        %dma_start3A_224 = arith.constant 0 : i32
        %dma_start3A_225 = tpu.memref_slice %arg6[%dma_start3A_221, %dma_start3A_222, %dma_start3A_223, %dma_start3A_224] : memref<2x2x100x64xf32, #tpu.memory_space<vmem>> -> memref<1x1x100x64xf32, #tpu.memory_space<vmem>>
        %dma_start3A_226 = tpu.memref_squeeze %dma_start3A_225 : memref<1x1x100x64xf32, #tpu.memory_space<vmem>> -> memref<100x64xf32, #tpu.memory_space<vmem>>
        %dma_start3A_227 = arith.constant 0 : i32
        %dma_start3A_228 = tpu.memref_slice %arg5[%add3A_219, %dma_start3A_220, %dma_start3A_227] : memref<128x2x100xi32, #tpu.memory_space<vmem>> -> memref<1x1x100xi32, #tpu.memory_space<vmem>>
        %dma_start3A_229 = tpu.memref_squeeze %dma_start3A_228 : memref<1x1x100xi32, #tpu.memory_space<vmem>> -> memref<100xi32, #tpu.memory_space<vmem>>
        %dma_start3A_230 = arith.constant 0 : i32
        %dma_start3A_231 = arith.constant 0 : i32
        %dma_start3A_232 = tpu.memref_slice %arg3[%dma_start3A_230, %dma_start3A_231] : memref<1000000x64xf32, #tpu.memory_space<hbm>> -> memref<1000000x64xf32, #tpu.memory_space<hbm>>
        tpu.enqueue_indirect_dma source(%dma_start3A_232 : memref<1000000x64xf32, #tpu.memory_space<hbm>>) target(%dma_start3A_226 : memref<100x64xf32, #tpu.memory_space<vmem>>) offsets(%dma_start3A_229 : memref<100xi32, #tpu.memory_space<vmem>>) semaphore(%arg8 : memref<!tpu.dma_semaphore, #tpu.memory_space<semaphore_mem>>)
        %dma_start3A_233 = arith.constant 1 : i32
        %dma_start3A_234 = arith.constant 0 : i32
        %dma_start3A_235 = arith.constant 1 : i32
        %dma_start3A_236 = arith.constant 0 : i32
        %dma_start3A_237 = arith.constant 0 : i32
        %dma_start3A_238 = tpu.memref_slice %arg6[%dma_start3A_234, %dma_start3A_235, %dma_start3A_236, %dma_start3A_237] : memref<2x2x100x64xf32, #tpu.memory_space<vmem>> -> memref<1x1x100x64xf32, #tpu.memory_space<vmem>>
        %dma_start3A_239 = tpu.memref_squeeze %dma_start3A_238 : memref<1x1x100x64xf32, #tpu.memory_space<vmem>> -> memref<100x64xf32, #tpu.memory_space<vmem>>
        %dma_start3A_240 = arith.constant 0 : i32
        %dma_start3A_241 = tpu.memref_slice %arg5[%add3A_219, %dma_start3A_233, %dma_start3A_240] : memref<128x2x100xi32, #tpu.memory_space<vmem>> -> memref<1x1x100xi32, #tpu.memory_space<vmem>>
        %dma_start3A_242 = tpu.memref_squeeze %dma_start3A_241 : memref<1x1x100xi32, #tpu.memory_space<vmem>> -> memref<100xi32, #tpu.memory_space<vmem>>
        %dma_start3A_243 = arith.constant 0 : i32
        %dma_start3A_244 = arith.constant 0 : i32
        %dma_start3A_245 = tpu.memref_slice %arg3[%dma_start3A_243, %dma_start3A_244] : memref<1000000x64xf32, #tpu.memory_space<hbm>> -> memref<1000000x64xf32, #tpu.memory_space<hbm>>
        tpu.enqueue_indirect_dma source(%dma_start3A_245 : memref<1000000x64xf32, #tpu.memory_space<hbm>>) target(%dma_start3A_239 : memref<100x64xf32, #tpu.memory_space<vmem>>) offsets(%dma_start3A_242 : memref<100xi32, #tpu.memory_space<vmem>>) semaphore(%arg8 : memref<!tpu.dma_semaphore, #tpu.memory_space<semaphore_mem>>)
      } else {
      }
      %add3A_169 = arith.constant 1 : i32
      %add3A_170 = arith.addi %mul3A_39, %add3A_169 : i32
      %broadcast_in_dim3A_171 = arith.constant 0.000000e+00 : f32
      %broadcast_in_dim3A_172 = vector.broadcast %broadcast_in_dim3A_171 : f32 to vector<16xf32>
      %broadcast_in_dim3A_173 = arith.constant 0.000000e+00 : f32
      %broadcast_in_dim3A_174 = vector.broadcast %broadcast_in_dim3A_173 : f32 to vector<16xf32>
      %broadcast_in_dim3A_175 = arith.constant 0.000000e+00 : f32
      %broadcast_in_dim3A_176 = vector.broadcast %broadcast_in_dim3A_175 : f32 to vector<16xf32>
      %broadcast_in_dim3A_177 = arith.constant 0.000000e+00 : f32
      %broadcast_in_dim3A_178 = vector.broadcast %broadcast_in_dim3A_177 : f32 to vector<16xf32>
      %broadcast_in_dim3A_179 = arith.constant 0.000000e+00 : f32
      %broadcast_in_dim3A_180 = vector.broadcast %broadcast_in_dim3A_179 : f32 to vector<16xf32>
      %broadcast_in_dim3A_181 = arith.constant 0.000000e+00 : f32
      %broadcast_in_dim3A_182 = vector.broadcast %broadcast_in_dim3A_181 : f32 to vector<16xf32>
      %broadcast_in_dim3A_183 = arith.constant 0.000000e+00 : f32
      %broadcast_in_dim3A_184 = vector.broadcast %broadcast_in_dim3A_183 : f32 to vector<16xf32>
      %broadcast_in_dim3A_185 = arith.constant 0.000000e+00 : f32
      %broadcast_in_dim3A_186 = vector.broadcast %broadcast_in_dim3A_185 : f32 to vector<16xf32>
      %scan3A_187 = arith.constant 0 : i32
      %scan3A_188 = arith.constant 50 : i32
      %scan3A_189 = arith.addi %scan3A_187, %scan3A_188 : i32
      %scan3A_190 = arith.constant 2 : i32
      %scan3A_191:8 = scf.for %scan3A_218 = %scan3A_187 to %scan3A_189 step %scan3A_190 iter_args(%scan3A_219 = %broadcast_in_dim3A_172, %scan3A_220 = %broadcast_in_dim3A_174, %scan3A_221 = %broadcast_in_dim3A_176, %scan3A_222 = %broadcast_in_dim3A_178, %scan3A_223 = %broadcast_in_dim3A_180, %scan3A_224 = %broadcast_in_dim3A_182, %scan3A_225 = %broadcast_in_dim3A_184, %scan3A_226 = %broadcast_in_dim3A_186) -> (vector<16xf32>, vector<16xf32>, vector<16xf32>, vector<16xf32>, vector<16xf32>, vector<16xf32>, vector<16xf32>, vector<16xf32>)  : i32 {
        %mul3A_227 = arith.constant 2 : i32
        %mul3A_228 = arith.muli %mul3A_227, %scan3A_218 : i32
        %get3A = arith.constant 1 : i32
        %get3A_229 = arith.constant 0 : i32
        %get3A_230 = arith.index_cast %get3A : i32 to index
        %get3A_231 = arith.index_cast %get3A_229 : i32 to index
        %get3A_232 = arith.index_cast %mul3A_228 : i32 to index
        %get3A_233 = arith.constant 0 : index
        %get3A_234 = tpu.vector_load %arg6[%get3A_230, %get3A_231, %get3A_232, %get3A_233] {strides = array<i32>} : memref<2x2x100x64xf32, #tpu.memory_space<vmem>>, vector<1x1x1x16xf32>,
        %get3A_235 = vector.shape_cast %get3A_234 : vector<1x1x1x16xf32> to vector<16xf32>
        %add3A_236 = arith.addf %scan3A_219, %get3A_235 : vector<16xf32>
        %mul3A_237 = arith.constant 2 : i32
        %mul3A_238 = arith.muli %mul3A_237, %scan3A_218 : i32
        %add3A_239 = arith.constant 1 : i32
        %add3A_240 = arith.addi %mul3A_238, %add3A_239 : i32
        %get3A_241 = arith.constant 1 : i32
        %get3A_242 = arith.constant 0 : i32
        %get3A_243 = arith.index_cast %get3A_241 : i32 to index
        %get3A_244 = arith.index_cast %get3A_242 : i32 to index
        %get3A_245 = arith.index_cast %add3A_240 : i32 to index
        %get3A_246 = arith.constant 0 : index
        %get3A_247 = tpu.vector_load %arg6[%get3A_243, %get3A_244, %get3A_245, %get3A_246] {strides = array<i32>} : memref<2x2x100x64xf32, #tpu.memory_space<vmem>>, vector<1x1x1x16xf32>,
        %get3A_248 = vector.shape_cast %get3A_247 : vector<1x1x1x16xf32> to vector<16xf32>
        %add3A_249 = arith.addf %add3A_236, %get3A_248 : vector<16xf32>
        %mul3A_250 = arith.constant 2 : i32
        %mul3A_251 = arith.muli %mul3A_250, %scan3A_218 : i32
        %get3A_252 = arith.constant 1 : i32
        %get3A_253 = arith.constant 0 : i32
        %get3A_254 = arith.index_cast %get3A_252 : i32 to index
        %get3A_255 = arith.index_cast %get3A_253 : i32 to index
        %get3A_256 = arith.index_cast %mul3A_251 : i32 to index
        %get3A_257 = arith.constant 16 : index
        %get3A_258 = tpu.vector_load %arg6[%get3A_254, %get3A_255, %get3A_256, %get3A_257] {strides = array<i32>} : memref<2x2x100x64xf32, #tpu.memory_space<vmem>>, vector<1x1x1x16xf32>,
        %get3A_259 = vector.shape_cast %get3A_258 : vector<1x1x1x16xf32> to vector<16xf32>
        %add3A_260 = arith.addf %scan3A_220, %get3A_259 : vector<16xf32>
        %mul3A_261 = arith.constant 2 : i32
        %mul3A_262 = arith.muli %mul3A_261, %scan3A_218 : i32
        %add3A_263 = arith.constant 1 : i32
        %add3A_264 = arith.addi %mul3A_262, %add3A_263 : i32
        %get3A_265 = arith.constant 1 : i32
        %get3A_266 = arith.constant 0 : i32
        %get3A_267 = arith.index_cast %get3A_265 : i32 to index
        %get3A_268 = arith.index_cast %get3A_266 : i32 to index
        %get3A_269 = arith.index_cast %add3A_264 : i32 to index
        %get3A_270 = arith.constant 16 : index
        %get3A_271 = tpu.vector_load %arg6[%get3A_267, %get3A_268, %get3A_269, %get3A_270] {strides = array<i32>} : memref<2x2x100x64xf32, #tpu.memory_space<vmem>>, vector<1x1x1x16xf32>,
        %get3A_272 = vector.shape_cast %get3A_271 : vector<1x1x1x16xf32> to vector<16xf32>
        %add3A_273 = arith.addf %add3A_260, %get3A_272 : vector<16xf32>
        %mul3A_274 = arith.constant 2 : i32
        %mul3A_275 = arith.muli %mul3A_274, %scan3A_218 : i32
        %get3A_276 = arith.constant 1 : i32
        %get3A_277 = arith.constant 0 : i32
        %get3A_278 = arith.index_cast %get3A_276 : i32 to index
        %get3A_279 = arith.index_cast %get3A_277 : i32 to index
        %get3A_280 = arith.index_cast %mul3A_275 : i32 to index
        %get3A_281 = arith.constant 32 : index
        %get3A_282 = tpu.vector_load %arg6[%get3A_278, %get3A_279, %get3A_280, %get3A_281] {strides = array<i32>} : memref<2x2x100x64xf32, #tpu.memory_space<vmem>>, vector<1x1x1x16xf32>,
        %get3A_283 = vector.shape_cast %get3A_282 : vector<1x1x1x16xf32> to vector<16xf32>
        %add3A_284 = arith.addf %scan3A_221, %get3A_283 : vector<16xf32>
        %mul3A_285 = arith.constant 2 : i32
        %mul3A_286 = arith.muli %mul3A_285, %scan3A_218 : i32
        %add3A_287 = arith.constant 1 : i32
        %add3A_288 = arith.addi %mul3A_286, %add3A_287 : i32
        %get3A_289 = arith.constant 1 : i32
        %get3A_290 = arith.constant 0 : i32
        %get3A_291 = arith.index_cast %get3A_289 : i32 to index
        %get3A_292 = arith.index_cast %get3A_290 : i32 to index
        %get3A_293 = arith.index_cast %add3A_288 : i32 to index
        %get3A_294 = arith.constant 32 : index
        %get3A_295 = tpu.vector_load %arg6[%get3A_291, %get3A_292, %get3A_293, %get3A_294] {strides = array<i32>} : memref<2x2x100x64xf32, #tpu.memory_space<vmem>>, vector<1x1x1x16xf32>,
        %get3A_296 = vector.shape_cast %get3A_295 : vector<1x1x1x16xf32> to vector<16xf32>
        %add3A_297 = arith.addf %add3A_284, %get3A_296 : vector<16xf32>
        %mul3A_298 = arith.constant 2 : i32
        %mul3A_299 = arith.muli %mul3A_298, %scan3A_218 : i32
        %get3A_300 = arith.constant 1 : i32
        %get3A_301 = arith.constant 0 : i32
        %get3A_302 = arith.index_cast %get3A_300 : i32 to index
        %get3A_303 = arith.index_cast %get3A_301 : i32 to index
        %get3A_304 = arith.index_cast %mul3A_299 : i32 to index
        %get3A_305 = arith.constant 48 : index
        %get3A_306 = tpu.vector_load %arg6[%get3A_302, %get3A_303, %get3A_304, %get3A_305] {strides = array<i32>} : memref<2x2x100x64xf32, #tpu.memory_space<vmem>>, vector<1x1x1x16xf32>,
        %get3A_307 = vector.shape_cast %get3A_306 : vector<1x1x1x16xf32> to vector<16xf32>
        %add3A_308 = arith.addf %scan3A_222, %get3A_307 : vector<16xf32>
        %mul3A_309 = arith.constant 2 : i32
        %mul3A_310 = arith.muli %mul3A_309, %scan3A_218 : i32
        %add3A_311 = arith.constant 1 : i32
        %add3A_312 = arith.addi %mul3A_310, %add3A_311 : i32
        %get3A_313 = arith.constant 1 : i32
        %get3A_314 = arith.constant 0 : i32
        %get3A_315 = arith.index_cast %get3A_313 : i32 to index
        %get3A_316 = arith.index_cast %get3A_314 : i32 to index
        %get3A_317 = arith.index_cast %add3A_312 : i32 to index
        %get3A_318 = arith.constant 48 : index
        %get3A_319 = tpu.vector_load %arg6[%get3A_315, %get3A_316, %get3A_317, %get3A_318] {strides = array<i32>} : memref<2x2x100x64xf32, #tpu.memory_space<vmem>>, vector<1x1x1x16xf32>,
        %get3A_320 = vector.shape_cast %get3A_319 : vector<1x1x1x16xf32> to vector<16xf32>
        %add3A_321 = arith.addf %add3A_308, %get3A_320 : vector<16xf32>
        %mul3A_322 = arith.constant 2 : i32
        %mul3A_323 = arith.muli %mul3A_322, %scan3A_218 : i32
        %get3A_324 = arith.constant 1 : i32
        %get3A_325 = arith.constant 1 : i32
        %get3A_326 = arith.index_cast %get3A_324 : i32 to index
        %get3A_327 = arith.index_cast %get3A_325 : i32 to index
        %get3A_328 = arith.index_cast %mul3A_323 : i32 to index
        %get3A_329 = arith.constant 0 : index
        %get3A_330 = tpu.vector_load %arg6[%get3A_326, %get3A_327, %get3A_328, %get3A_329] {strides = array<i32>} : memref<2x2x100x64xf32, #tpu.memory_space<vmem>>, vector<1x1x1x16xf32>,
        %get3A_331 = vector.shape_cast %get3A_330 : vector<1x1x1x16xf32> to vector<16xf32>
        %add3A_332 = arith.addf %scan3A_223, %get3A_331 : vector<16xf32>
        %mul3A_333 = arith.constant 2 : i32
        %mul3A_334 = arith.muli %mul3A_333, %scan3A_218 : i32
        %add3A_335 = arith.constant 1 : i32
        %add3A_336 = arith.addi %mul3A_334, %add3A_335 : i32
        %get3A_337 = arith.constant 1 : i32
        %get3A_338 = arith.constant 1 : i32
        %get3A_339 = arith.index_cast %get3A_337 : i32 to index
        %get3A_340 = arith.index_cast %get3A_338 : i32 to index
        %get3A_341 = arith.index_cast %add3A_336 : i32 to index
        %get3A_342 = arith.constant 0 : index
        %get3A_343 = tpu.vector_load %arg6[%get3A_339, %get3A_340, %get3A_341, %get3A_342] {strides = array<i32>} : memref<2x2x100x64xf32, #tpu.memory_space<vmem>>, vector<1x1x1x16xf32>,
        %get3A_344 = vector.shape_cast %get3A_343 : vector<1x1x1x16xf32> to vector<16xf32>
        %add3A_345 = arith.addf %add3A_332, %get3A_344 : vector<16xf32>
        %mul3A_346 = arith.constant 2 : i32
        %mul3A_347 = arith.muli %mul3A_346, %scan3A_218 : i32
        %get3A_348 = arith.constant 1 : i32
        %get3A_349 = arith.constant 1 : i32
        %get3A_350 = arith.index_cast %get3A_348 : i32 to index
        %get3A_351 = arith.index_cast %get3A_349 : i32 to index
        %get3A_352 = arith.index_cast %mul3A_347 : i32 to index
        %get3A_353 = arith.constant 16 : index
        %get3A_354 = tpu.vector_load %arg6[%get3A_350, %get3A_351, %get3A_352, %get3A_353] {strides = array<i32>} : memref<2x2x100x64xf32, #tpu.memory_space<vmem>>, vector<1x1x1x16xf32>,
        %get3A_355 = vector.shape_cast %get3A_354 : vector<1x1x1x16xf32> to vector<16xf32>
        %add3A_356 = arith.addf %scan3A_224, %get3A_355 : vector<16xf32>
        %mul3A_357 = arith.constant 2 : i32
        %mul3A_358 = arith.muli %mul3A_357, %scan3A_218 : i32
        %add3A_359 = arith.constant 1 : i32
        %add3A_360 = arith.addi %mul3A_358, %add3A_359 : i32
        %get3A_361 = arith.constant 1 : i32
        %get3A_362 = arith.constant 1 : i32
        %get3A_363 = arith.index_cast %get3A_361 : i32 to index
        %get3A_364 = arith.index_cast %get3A_362 : i32 to index
        %get3A_365 = arith.index_cast %add3A_360 : i32 to index
        %get3A_366 = arith.constant 16 : index
        %get3A_367 = tpu.vector_load %arg6[%get3A_363, %get3A_364, %get3A_365, %get3A_366] {strides = array<i32>} : memref<2x2x100x64xf32, #tpu.memory_space<vmem>>, vector<1x1x1x16xf32>,
        %get3A_368 = vector.shape_cast %get3A_367 : vector<1x1x1x16xf32> to vector<16xf32>
        %add3A_369 = arith.addf %add3A_356, %get3A_368 : vector<16xf32>
        %mul3A_370 = arith.constant 2 : i32
        %mul3A_371 = arith.muli %mul3A_370, %scan3A_218 : i32
        %get3A_372 = arith.constant 1 : i32
        %get3A_373 = arith.constant 1 : i32
        %get3A_374 = arith.index_cast %get3A_372 : i32 to index
        %get3A_375 = arith.index_cast %get3A_373 : i32 to index
        %get3A_376 = arith.index_cast %mul3A_371 : i32 to index
        %get3A_377 = arith.constant 32 : index
        %get3A_378 = tpu.vector_load %arg6[%get3A_374, %get3A_375, %get3A_376, %get3A_377] {strides = array<i32>} : memref<2x2x100x64xf32, #tpu.memory_space<vmem>>, vector<1x1x1x16xf32>,
        %get3A_379 = vector.shape_cast %get3A_378 : vector<1x1x1x16xf32> to vector<16xf32>
        %add3A_380 = arith.addf %scan3A_225, %get3A_379 : vector<16xf32>
        %mul3A_381 = arith.constant 2 : i32
        %mul3A_382 = arith.muli %mul3A_381, %scan3A_218 : i32
        %add3A_383 = arith.constant 1 : i32
        %add3A_384 = arith.addi %mul3A_382, %add3A_383 : i32
        %get3A_385 = arith.constant 1 : i32
        %get3A_386 = arith.constant 1 : i32
        %get3A_387 = arith.index_cast %get3A_385 : i32 to index
        %get3A_388 = arith.index_cast %get3A_386 : i32 to index
        %get3A_389 = arith.index_cast %add3A_384 : i32 to index
        %get3A_390 = arith.constant 32 : index
        %get3A_391 = tpu.vector_load %arg6[%get3A_387, %get3A_388, %get3A_389, %get3A_390] {strides = array<i32>} : memref<2x2x100x64xf32, #tpu.memory_space<vmem>>, vector<1x1x1x16xf32>,
        %get3A_392 = vector.shape_cast %get3A_391 : vector<1x1x1x16xf32> to vector<16xf32>
        %add3A_393 = arith.addf %add3A_380, %get3A_392 : vector<16xf32>
        %mul3A_394 = arith.constant 2 : i32
        %mul3A_395 = arith.muli %mul3A_394, %scan3A_218 : i32
        %get3A_396 = arith.constant 1 : i32
        %get3A_397 = arith.constant 1 : i32
        %get3A_398 = arith.index_cast %get3A_396 : i32 to index
        %get3A_399 = arith.index_cast %get3A_397 : i32 to index
        %get3A_400 = arith.index_cast %mul3A_395 : i32 to index
        %get3A_401 = arith.constant 48 : index
        %get3A_402 = tpu.vector_load %arg6[%get3A_398, %get3A_399, %get3A_400, %get3A_401] {strides = array<i32>} : memref<2x2x100x64xf32, #tpu.memory_space<vmem>>, vector<1x1x1x16xf32>,
        %get3A_403 = vector.shape_cast %get3A_402 : vector<1x1x1x16xf32> to vector<16xf32>
        %add3A_404 = arith.addf %scan3A_226, %get3A_403 : vector<16xf32>
        %mul3A_405 = arith.constant 2 : i32
        %mul3A_406 = arith.muli %mul3A_405, %scan3A_218 : i32
        %add3A_407 = arith.constant 1 : i32
        %add3A_408 = arith.addi %mul3A_406, %add3A_407 : i32
        %get3A_409 = arith.constant 1 : i32
        %get3A_410 = arith.constant 1 : i32
        %get3A_411 = arith.index_cast %get3A_409 : i32 to index
        %get3A_412 = arith.index_cast %get3A_410 : i32 to index
        %get3A_413 = arith.index_cast %add3A_408 : i32 to index
        %get3A_414 = arith.constant 48 : index
        %get3A_415 = tpu.vector_load %arg6[%get3A_411, %get3A_412, %get3A_413, %get3A_414] {strides = array<i32>} : memref<2x2x100x64xf32, #tpu.memory_space<vmem>>, vector<1x1x1x16xf32>,
        %get3A_416 = vector.shape_cast %get3A_415 : vector<1x1x1x16xf32> to vector<16xf32>
        %add3A_417 = arith.addf %add3A_404, %get3A_416 : vector<16xf32>
        %scan3A_418 = arith.constant 1 : i32
        %scan3A_419 = arith.addi %scan3A_218, %scan3A_418 : i32
        %mul3A_420 = arith.constant 2 : i32
        %mul3A_421 = arith.muli %mul3A_420, %scan3A_419 : i32
        %get3A_422 = arith.constant 1 : i32
        %get3A_423 = arith.constant 0 : i32
        %get3A_424 = arith.index_cast %get3A_422 : i32 to index
        %get3A_425 = arith.index_cast %get3A_423 : i32 to index
        %get3A_426 = arith.index_cast %mul3A_421 : i32 to index
        %get3A_427 = arith.constant 0 : index
        %get3A_428 = tpu.vector_load %arg6[%get3A_424, %get3A_425, %get3A_426, %get3A_427] {strides = array<i32>} : memref<2x2x100x64xf32, #tpu.memory_space<vmem>>, vector<1x1x1x16xf32>,
        %get3A_429 = vector.shape_cast %get3A_428 : vector<1x1x1x16xf32> to vector<16xf32>
        %add3A_430 = arith.addf %add3A_249, %get3A_429 : vector<16xf32>
        %mul3A_431 = arith.constant 2 : i32
        %mul3A_432 = arith.muli %mul3A_431, %scan3A_419 : i32
        %add3A_433 = arith.constant 1 : i32
        %add3A_434 = arith.addi %mul3A_432, %add3A_433 : i32
        %get3A_435 = arith.constant 1 : i32
        %get3A_436 = arith.constant 0 : i32
        %get3A_437 = arith.index_cast %get3A_435 : i32 to index
        %get3A_438 = arith.index_cast %get3A_436 : i32 to index
        %get3A_439 = arith.index_cast %add3A_434 : i32 to index
        %get3A_440 = arith.constant 0 : index
        %get3A_441 = tpu.vector_load %arg6[%get3A_437, %get3A_438, %get3A_439, %get3A_440] {strides = array<i32>} : memref<2x2x100x64xf32, #tpu.memory_space<vmem>>, vector<1x1x1x16xf32>,
        %get3A_442 = vector.shape_cast %get3A_441 : vector<1x1x1x16xf32> to vector<16xf32>
        %add3A_443 = arith.addf %add3A_430, %get3A_442 : vector<16xf32>
        %mul3A_444 = arith.constant 2 : i32
        %mul3A_445 = arith.muli %mul3A_444, %scan3A_419 : i32
        %get3A_446 = arith.constant 1 : i32
        %get3A_447 = arith.constant 0 : i32
        %get3A_448 = arith.index_cast %get3A_446 : i32 to index
        %get3A_449 = arith.index_cast %get3A_447 : i32 to index
        %get3A_450 = arith.index_cast %mul3A_445 : i32 to index
        %get3A_451 = arith.constant 16 : index
        %get3A_452 = tpu.vector_load %arg6[%get3A_448, %get3A_449, %get3A_450, %get3A_451] {strides = array<i32>} : memref<2x2x100x64xf32, #tpu.memory_space<vmem>>, vector<1x1x1x16xf32>,
        %get3A_453 = vector.shape_cast %get3A_452 : vector<1x1x1x16xf32> to vector<16xf32>
        %add3A_454 = arith.addf %add3A_273, %get3A_453 : vector<16xf32>
        %mul3A_455 = arith.constant 2 : i32
        %mul3A_456 = arith.muli %mul3A_455, %scan3A_419 : i32
        %add3A_457 = arith.constant 1 : i32
        %add3A_458 = arith.addi %mul3A_456, %add3A_457 : i32
        %get3A_459 = arith.constant 1 : i32
        %get3A_460 = arith.constant 0 : i32
        %get3A_461 = arith.index_cast %get3A_459 : i32 to index
        %get3A_462 = arith.index_cast %get3A_460 : i32 to index
        %get3A_463 = arith.index_cast %add3A_458 : i32 to index
        %get3A_464 = arith.constant 16 : index
        %get3A_465 = tpu.vector_load %arg6[%get3A_461, %get3A_462, %get3A_463, %get3A_464] {strides = array<i32>} : memref<2x2x100x64xf32, #tpu.memory_space<vmem>>, vector<1x1x1x16xf32>,
        %get3A_466 = vector.shape_cast %get3A_465 : vector<1x1x1x16xf32> to vector<16xf32>
        %add3A_467 = arith.addf %add3A_454, %get3A_466 : vector<16xf32>
        %mul3A_468 = arith.constant 2 : i32
        %mul3A_469 = arith.muli %mul3A_468, %scan3A_419 : i32
        %get3A_470 = arith.constant 1 : i32
        %get3A_471 = arith.constant 0 : i32
        %get3A_472 = arith.index_cast %get3A_470 : i32 to index
        %get3A_473 = arith.index_cast %get3A_471 : i32 to index
        %get3A_474 = arith.index_cast %mul3A_469 : i32 to index
        %get3A_475 = arith.constant 32 : index
        %get3A_476 = tpu.vector_load %arg6[%get3A_472, %get3A_473, %get3A_474, %get3A_475] {strides = array<i32>} : memref<2x2x100x64xf32, #tpu.memory_space<vmem>>, vector<1x1x1x16xf32>,
        %get3A_477 = vector.shape_cast %get3A_476 : vector<1x1x1x16xf32> to vector<16xf32>
        %add3A_478 = arith.addf %add3A_297, %get3A_477 : vector<16xf32>
        %mul3A_479 = arith.constant 2 : i32
        %mul3A_480 = arith.muli %mul3A_479, %scan3A_419 : i32
        %add3A_481 = arith.constant 1 : i32
        %add3A_482 = arith.addi %mul3A_480, %add3A_481 : i32
        %get3A_483 = arith.constant 1 : i32
        %get3A_484 = arith.constant 0 : i32
        %get3A_485 = arith.index_cast %get3A_483 : i32 to index
        %get3A_486 = arith.index_cast %get3A_484 : i32 to index
        %get3A_487 = arith.index_cast %add3A_482 : i32 to index
        %get3A_488 = arith.constant 32 : index
        %get3A_489 = tpu.vector_load %arg6[%get3A_485, %get3A_486, %get3A_487, %get3A_488] {strides = array<i32>} : memref<2x2x100x64xf32, #tpu.memory_space<vmem>>, vector<1x1x1x16xf32>,
        %get3A_490 = vector.shape_cast %get3A_489 : vector<1x1x1x16xf32> to vector<16xf32>
        %add3A_491 = arith.addf %add3A_478, %get3A_490 : vector<16xf32>
        %mul3A_492 = arith.constant 2 : i32
        %mul3A_493 = arith.muli %mul3A_492, %scan3A_419 : i32
        %get3A_494 = arith.constant 1 : i32
        %get3A_495 = arith.constant 0 : i32
        %get3A_496 = arith.index_cast %get3A_494 : i32 to index
        %get3A_497 = arith.index_cast %get3A_495 : i32 to index
        %get3A_498 = arith.index_cast %mul3A_493 : i32 to index
        %get3A_499 = arith.constant 48 : index
        %get3A_500 = tpu.vector_load %arg6[%get3A_496, %get3A_497, %get3A_498, %get3A_499] {strides = array<i32>} : memref<2x2x100x64xf32, #tpu.memory_space<vmem>>, vector<1x1x1x16xf32>,
        %get3A_501 = vector.shape_cast %get3A_500 : vector<1x1x1x16xf32> to vector<16xf32>
        %add3A_502 = arith.addf %add3A_321, %get3A_501 : vector<16xf32>
        %mul3A_503 = arith.constant 2 : i32
        %mul3A_504 = arith.muli %mul3A_503, %scan3A_419 : i32
        %add3A_505 = arith.constant 1 : i32
        %add3A_506 = arith.addi %mul3A_504, %add3A_505 : i32
        %get3A_507 = arith.constant 1 : i32
        %get3A_508 = arith.constant 0 : i32
        %get3A_509 = arith.index_cast %get3A_507 : i32 to index
        %get3A_510 = arith.index_cast %get3A_508 : i32 to index
        %get3A_511 = arith.index_cast %add3A_506 : i32 to index
        %get3A_512 = arith.constant 48 : index
        %get3A_513 = tpu.vector_load %arg6[%get3A_509, %get3A_510, %get3A_511, %get3A_512] {strides = array<i32>} : memref<2x2x100x64xf32, #tpu.memory_space<vmem>>, vector<1x1x1x16xf32>,
        %get3A_514 = vector.shape_cast %get3A_513 : vector<1x1x1x16xf32> to vector<16xf32>
        %add3A_515 = arith.addf %add3A_502, %get3A_514 : vector<16xf32>
        %mul3A_516 = arith.constant 2 : i32
        %mul3A_517 = arith.muli %mul3A_516, %scan3A_419 : i32
        %get3A_518 = arith.constant 1 : i32
        %get3A_519 = arith.constant 1 : i32
        %get3A_520 = arith.index_cast %get3A_518 : i32 to index
        %get3A_521 = arith.index_cast %get3A_519 : i32 to index
        %get3A_522 = arith.index_cast %mul3A_517 : i32 to index
        %get3A_523 = arith.constant 0 : index
        %get3A_524 = tpu.vector_load %arg6[%get3A_520, %get3A_521, %get3A_522, %get3A_523] {strides = array<i32>} : memref<2x2x100x64xf32, #tpu.memory_space<vmem>>, vector<1x1x1x16xf32>,
        %get3A_525 = vector.shape_cast %get3A_524 : vector<1x1x1x16xf32> to vector<16xf32>
        %add3A_526 = arith.addf %add3A_345, %get3A_525 : vector<16xf32>
        %mul3A_527 = arith.constant 2 : i32
        %mul3A_528 = arith.muli %mul3A_527, %scan3A_419 : i32
        %add3A_529 = arith.constant 1 : i32
        %add3A_530 = arith.addi %mul3A_528, %add3A_529 : i32
        %get3A_531 = arith.constant 1 : i32
        %get3A_532 = arith.constant 1 : i32
        %get3A_533 = arith.index_cast %get3A_531 : i32 to index
        %get3A_534 = arith.index_cast %get3A_532 : i32 to index
        %get3A_535 = arith.index_cast %add3A_530 : i32 to index
        %get3A_536 = arith.constant 0 : index
        %get3A_537 = tpu.vector_load %arg6[%get3A_533, %get3A_534, %get3A_535, %get3A_536] {strides = array<i32>} : memref<2x2x100x64xf32, #tpu.memory_space<vmem>>, vector<1x1x1x16xf32>,
        %get3A_538 = vector.shape_cast %get3A_537 : vector<1x1x1x16xf32> to vector<16xf32>
        %add3A_539 = arith.addf %add3A_526, %get3A_538 : vector<16xf32>
        %mul3A_540 = arith.constant 2 : i32
        %mul3A_541 = arith.muli %mul3A_540, %scan3A_419 : i32
        %get3A_542 = arith.constant 1 : i32
        %get3A_543 = arith.constant 1 : i32
        %get3A_544 = arith.index_cast %get3A_542 : i32 to index
        %get3A_545 = arith.index_cast %get3A_543 : i32 to index
        %get3A_546 = arith.index_cast %mul3A_541 : i32 to index
        %get3A_547 = arith.constant 16 : index
        %get3A_548 = tpu.vector_load %arg6[%get3A_544, %get3A_545, %get3A_546, %get3A_547] {strides = array<i32>} : memref<2x2x100x64xf32, #tpu.memory_space<vmem>>, vector<1x1x1x16xf32>,
        %get3A_549 = vector.shape_cast %get3A_548 : vector<1x1x1x16xf32> to vector<16xf32>
        %add3A_550 = arith.addf %add3A_369, %get3A_549 : vector<16xf32>
        %mul3A_551 = arith.constant 2 : i32
        %mul3A_552 = arith.muli %mul3A_551, %scan3A_419 : i32
        %add3A_553 = arith.constant 1 : i32
        %add3A_554 = arith.addi %mul3A_552, %add3A_553 : i32
        %get3A_555 = arith.constant 1 : i32
        %get3A_556 = arith.constant 1 : i32
        %get3A_557 = arith.index_cast %get3A_555 : i32 to index
        %get3A_558 = arith.index_cast %get3A_556 : i32 to index
        %get3A_559 = arith.index_cast %add3A_554 : i32 to index
        %get3A_560 = arith.constant 16 : index
        %get3A_561 = tpu.vector_load %arg6[%get3A_557, %get3A_558, %get3A_559, %get3A_560] {strides = array<i32>} : memref<2x2x100x64xf32, #tpu.memory_space<vmem>>, vector<1x1x1x16xf32>,
        %get3A_562 = vector.shape_cast %get3A_561 : vector<1x1x1x16xf32> to vector<16xf32>
        %add3A_563 = arith.addf %add3A_550, %get3A_562 : vector<16xf32>
        %mul3A_564 = arith.constant 2 : i32
        %mul3A_565 = arith.muli %mul3A_564, %scan3A_419 : i32
        %get3A_566 = arith.constant 1 : i32
        %get3A_567 = arith.constant 1 : i32
        %get3A_568 = arith.index_cast %get3A_566 : i32 to index
        %get3A_569 = arith.index_cast %get3A_567 : i32 to index
        %get3A_570 = arith.index_cast %mul3A_565 : i32 to index
        %get3A_571 = arith.constant 32 : index
        %get3A_572 = tpu.vector_load %arg6[%get3A_568, %get3A_569, %get3A_570, %get3A_571] {strides = array<i32>} : memref<2x2x100x64xf32, #tpu.memory_space<vmem>>, vector<1x1x1x16xf32>,
        %get3A_573 = vector.shape_cast %get3A_572 : vector<1x1x1x16xf32> to vector<16xf32>
        %add3A_574 = arith.addf %add3A_393, %get3A_573 : vector<16xf32>
        %mul3A_575 = arith.constant 2 : i32
        %mul3A_576 = arith.muli %mul3A_575, %scan3A_419 : i32
        %add3A_577 = arith.constant 1 : i32
        %add3A_578 = arith.addi %mul3A_576, %add3A_577 : i32
        %get3A_579 = arith.constant 1 : i32
        %get3A_580 = arith.constant 1 : i32
        %get3A_581 = arith.index_cast %get3A_579 : i32 to index
        %get3A_582 = arith.index_cast %get3A_580 : i32 to index
        %get3A_583 = arith.index_cast %add3A_578 : i32 to index
        %get3A_584 = arith.constant 32 : index
        %get3A_585 = tpu.vector_load %arg6[%get3A_581, %get3A_582, %get3A_583, %get3A_584] {strides = array<i32>} : memref<2x2x100x64xf32, #tpu.memory_space<vmem>>, vector<1x1x1x16xf32>,
        %get3A_586 = vector.shape_cast %get3A_585 : vector<1x1x1x16xf32> to vector<16xf32>
        %add3A_587 = arith.addf %add3A_574, %get3A_586 : vector<16xf32>
        %mul3A_588 = arith.constant 2 : i32
        %mul3A_589 = arith.muli %mul3A_588, %scan3A_419 : i32
        %get3A_590 = arith.constant 1 : i32
        %get3A_591 = arith.constant 1 : i32
        %get3A_592 = arith.index_cast %get3A_590 : i32 to index
        %get3A_593 = arith.index_cast %get3A_591 : i32 to index
        %get3A_594 = arith.index_cast %mul3A_589 : i32 to index
        %get3A_595 = arith.constant 48 : index
        %get3A_596 = tpu.vector_load %arg6[%get3A_592, %get3A_593, %get3A_594, %get3A_595] {strides = array<i32>} : memref<2x2x100x64xf32, #tpu.memory_space<vmem>>, vector<1x1x1x16xf32>,
        %get3A_597 = vector.shape_cast %get3A_596 : vector<1x1x1x16xf32> to vector<16xf32>
        %add3A_598 = arith.addf %add3A_417, %get3A_597 : vector<16xf32>
        %mul3A_599 = arith.constant 2 : i32
        %mul3A_600 = arith.muli %mul3A_599, %scan3A_419 : i32
        %add3A_601 = arith.constant 1 : i32
        %add3A_602 = arith.addi %mul3A_600, %add3A_601 : i32
        %get3A_603 = arith.constant 1 : i32
        %get3A_604 = arith.constant 1 : i32
        %get3A_605 = arith.index_cast %get3A_603 : i32 to index
        %get3A_606 = arith.index_cast %get3A_604 : i32 to index
        %get3A_607 = arith.index_cast %add3A_602 : i32 to index
        %get3A_608 = arith.constant 48 : index
        %get3A_609 = tpu.vector_load %arg6[%get3A_605, %get3A_606, %get3A_607, %get3A_608] {strides = array<i32>} : memref<2x2x100x64xf32, #tpu.memory_space<vmem>>, vector<1x1x1x16xf32>,
        %get3A_610 = vector.shape_cast %get3A_609 : vector<1x1x1x16xf32> to vector<16xf32>
        %add3A_611 = arith.addf %add3A_598, %get3A_610 : vector<16xf32>
        scf.yield %add3A_443, %add3A_467, %add3A_491, %add3A_515, %add3A_539, %add3A_563, %add3A_587, %add3A_611 : vector<16xf32>, vector<16xf32>, vector<16xf32>, vector<16xf32>, vector<16xf32>, vector<16xf32>, vector<16xf32>, vector<16xf32>
      }
      %scan3A_192 = arith.constant 50 : i32
      %add3A_193 = arith.addf %scan3A_191#0, %scan3A_191#4 : vector<16xf32>
      %swap3A_194 = arith.index_cast %add3A_170 : i32 to index
      %swap3A_195 = arith.constant 0 : index
      %swap3A_196 = tpu.vector_load %arg7[%swap3A_194, %swap3A_195] {strides = array<i32>} : memref<128x64xf32, #tpu.memory_space<vmem>>, vector<1x16xf32>,
      %swap3A_197 = vector.shape_cast %swap3A_196 : vector<1x16xf32> to vector<16xf32>
      %swap3A_198 = vector.shape_cast %add3A_193 : vector<16xf32> to vector<1x16xf32>
      tpu.vector_store %arg7[%swap3A_194, %swap3A_195], %swap3A_198 {strides = array<i32>} : memref<128x64xf32, #tpu.memory_space<vmem>>, vector<1x16xf32>,
      %add3A_199 = arith.addf %scan3A_191#1, %scan3A_191#5 : vector<16xf32>
      %swap3A_200 = arith.index_cast %add3A_170 : i32 to index
      %swap3A_201 = arith.constant 16 : index
      %swap3A_202 = tpu.vector_load %arg7[%swap3A_200, %swap3A_201] {strides = array<i32>} : memref<128x64xf32, #tpu.memory_space<vmem>>, vector<1x16xf32>,
      %swap3A_203 = vector.shape_cast %swap3A_202 : vector<1x16xf32> to vector<16xf32>
      %swap3A_204 = vector.shape_cast %add3A_199 : vector<16xf32> to vector<1x16xf32>
      tpu.vector_store %arg7[%swap3A_200, %swap3A_201], %swap3A_204 {strides = array<i32>} : memref<128x64xf32, #tpu.memory_space<vmem>>, vector<1x16xf32>,
      %add3A_205 = arith.addf %scan3A_191#2, %scan3A_191#6 : vector<16xf32>
      %swap3A_206 = arith.index_cast %add3A_170 : i32 to index
      %swap3A_207 = arith.constant 32 : index
      %swap3A_208 = tpu.vector_load %arg7[%swap3A_206, %swap3A_207] {strides = array<i32>} : memref<128x64xf32, #tpu.memory_space<vmem>>, vector<1x16xf32>,
      %swap3A_209 = vector.shape_cast %swap3A_208 : vector<1x16xf32> to vector<16xf32>
      %swap3A_210 = vector.shape_cast %add3A_205 : vector<16xf32> to vector<1x16xf32>
      tpu.vector_store %arg7[%swap3A_206, %swap3A_207], %swap3A_210 {strides = array<i32>} : memref<128x64xf32, #tpu.memory_space<vmem>>, vector<1x16xf32>,
      %add3A_211 = arith.addf %scan3A_191#3, %scan3A_191#7 : vector<16xf32>
      %swap3A_212 = arith.index_cast %add3A_170 : i32 to index
      %swap3A_213 = arith.constant 48 : index
      %swap3A_214 = tpu.vector_load %arg7[%swap3A_212, %swap3A_213] {strides = array<i32>} : memref<128x64xf32, #tpu.memory_space<vmem>>, vector<1x16xf32>,
      %swap3A_215 = vector.shape_cast %swap3A_214 : vector<1x16xf32> to vector<16xf32>
      %swap3A_216 = vector.shape_cast %add3A_211 : vector<16xf32> to vector<1x16xf32>
      tpu.vector_store %arg7[%swap3A_212, %swap3A_213], %swap3A_216 {strides = array<i32>} : memref<128x64xf32, #tpu.memory_space<vmem>>, vector<1x16xf32>,
      %scan3A_217 = arith.constant 0 : i32
      scf.yield %scan3A_217 : i32
    }
    %scan3A_35 = arith.constant 64 : i32
    "tpu.region"() ({
      %run_scoped3A = tpu.sem_alloc : memref<!tpu.dma_semaphore, #tpu.memory_space<semaphore_mem>>
      %dma_start3A_36 = arith.constant 0 : i32
      %dma_start3A_37 = tpu.memref_slice %arg4[%mul3A_2, %dma_start3A_36] : memref<4096x64xf32, #tpu.memory_space<hbm>> -> memref<128x64xf32, #tpu.memory_space<hbm>>
      %dma_start3A_38 = arith.constant 0 : i32
      %dma_start3A_39 = tpu.memref_slice %arg4[%mul3A_2, %dma_start3A_38] : memref<4096x64xf32, #tpu.memory_space<hbm>> -> memref<128x64xf32, #tpu.memory_space<hbm>>
      tpu.enqueue_dma source(%arg7 : memref<128x64xf32, #tpu.memory_space<vmem>>) target(%dma_start3A_39 : memref<128x64xf32, #tpu.memory_space<hbm>>) target_semaphore(%run_scoped3A : memref<!tpu.dma_semaphore, #tpu.memory_space<semaphore_mem>>)
      %dma_wait3A = arith.constant 0 : i32
      %dma_wait3A_40 = tpu.memref_slice %arg4[%mul3A_2, %dma_wait3A] : memref<4096x64xf32, #tpu.memory_space<hbm>> -> memref<128x64xf32, #tpu.memory_space<hbm>>
      %dma_wait3A_41 = arith.constant 0 : i32
      %dma_wait3A_42 = tpu.memref_slice %arg4[%mul3A_2, %dma_wait3A_41] : memref<4096x64xf32, #tpu.memory_space<hbm>> -> memref<128x64xf32, #tpu.memory_space<hbm>>
      tpu.wait_dma2 semaphore(%run_scoped3A : memref<!tpu.dma_semaphore, #tpu.memory_space<semaphore_mem>>) src(%arg7 : memref<128x64xf32, #tpu.memory_space<vmem>>) dst(%dma_wait3A_42 : memref<128x64xf32, #tpu.memory_space<hbm>>)
      tpu.yield
    }) : () -> ()
    return
  }
}

module attributes {stable_mosaic.version = 14 : i64} {
  func.func @_proj_body(%arg0: memref<4096x64xf32, #tpu.memory_space<vmem>>, %arg1: memref<64x128xf32, #tpu.memory_space<vmem>>, %arg2: memref<1x128xf32, #tpu.memory_space<vmem>>, %arg3: memref<4096x128xf32, #tpu.memory_space<vmem>>) attributes {dimension_semantics = [], scalar_prefetch = 0 : i64, scratch_operands = 0 : i64, tpu.core_type = #tpu.core_type<tc>} {
    %get3A = arith.constant 0 : index
    %get3A_0 = arith.constant 0 : index
    %get3A_1 = vector.load %arg0[%get3A, %get3A_0] : memref<4096x64xf32, #tpu.memory_space<vmem>>, vector<4096x64xf32>
    %mul3A = arith.constant 5.000000e-03 : f32
    %mul3A_2 = vector.broadcast %mul3A : f32 to vector<4096x64xf32>
    %mul3A_3 = arith.mulf %get3A_1, %mul3A_2 : vector<4096x64xf32>
    %get3A_4 = arith.constant 0 : index
    %get3A_5 = arith.constant 0 : index
    %get3A_6 = vector.load %arg1[%get3A_4, %get3A_5] : memref<64x128xf32, #tpu.memory_space<vmem>>, vector<64x128xf32>
    %dot_general3A = arith.constant dense<0.000000e+00> : vector<4096x128xf32>
    %dot_general3A_7 = tpu.matmul %mul3A_3, %get3A_6, %dot_general3A {dimension_numbers = #tpu.dot_dimension_numbers<[1], [0], [0], [1], [0, 0, 1, 1], [], []>, transpose_lhs_hint = false} : vector<4096x64xf32>, vector<64x128xf32>, vector<4096x128xf32> -> vector<4096x128xf32>
    %get3A_8 = arith.constant 0 : index
    %get3A_9 = arith.constant 0 : index
    %get3A_10 = vector.load %arg2[%get3A_8, %get3A_9] : memref<1x128xf32, #tpu.memory_space<vmem>>, vector<1x128xf32>
    %add3A = vector.broadcast %get3A_10 : vector<1x128xf32> to vector<4096x128xf32>
    %add3A_11 = arith.addf %dot_general3A_7, %add3A : vector<4096x128xf32>
    %swap3A = arith.constant 0 : index
    %swap3A_12 = arith.constant 0 : index
    %swap3A_13 = vector.load %arg3[%swap3A, %swap3A_12] : memref<4096x128xf32, #tpu.memory_space<vmem>>, vector<4096x128xf32>
    tpu.vector_store %arg3[%swap3A, %swap3A_12], %add3A_11 {strides = array<i32>} : memref<4096x128xf32, #tpu.memory_space<vmem>>, vector<4096x128xf32>,
    return
  }
}

</mosaic_0001>

<sc_bundles>
// kernel: kernel.4.cloned.1.call-start
scs
__scs_entry_jumppad:
0x0: {  	(pc) =	sbr.rel $0x88, $3  }
0x1: {  	(tag) =	ssettag $0x0;
	lr =	simm.s32 $0x1  }
0x2: {  	[smem:$0x3F9D] =	sst lr;
	_ =	strace $0xD0000000  }
0x3: {  	_ = 	snop  }
0x4: {  	_ = 	snop  }
0x5: {  	_ = 	snop  }
0x6: {  	_ = 	snop  }
0x7: {  	_ = 	snop  }
__scs_overlays_trampoline_lowered:
0x8: {  	[smem:$0x3FAC] =	sst s0  }
0x9: {  	[smem:$0x3FAD] =	sst s1  }
0xa: {  	[smem:$0x3FAE] =	sst s2  }
0xb: {  	[smem:$0x3FAF] =	sst s3  }
0xc: {  	[smem:$0x3FB0] =	sst s4  }
0xd: {  	[smem:$0x3FB1] =	sst s5  }
0xe: {  	[smem:$0x3FB2] =	sst s6  }
0xf: {  	[smem:$0x3FB3] =	sst s7  }
0x10: {  	[smem:$0x3FB4] =	sst s8  }
0x11: {  	[smem:$0x3FB5] =	sst s9;
	s0 =	simm.s32 @!p0 $0x0  }
0x12: {  	s1 =	sld [smem:$0x3F9B];
	s0 =	simm.s32 @p0 $0x1  }
0x13: {  	[smem:$0x3FB6] =	sst s0;
	s0 =	simm.s32 @!p1 $0x0  }
0x14: {  	s2 =	sld [smem:$0x3F9A];
	s0 =	simm.s32 @p1 $0x1  }
0x15: {  	[smem:$0x3FB7] =	sst s0;
	s0 =	simm.s32 @!p2 $0x0  }
0x16: {  	s3 =	sld [smem:$0x3FDB];
	s0 =	simm.s32 @p2 $0x1  }
0x17: {  	s4 =	simm.s32 $0x1BF5;
	[smem:$0x3FB9] =	sst s0  }
0x18: {  	s0 =	sld [smem:$0x3F9C];
	_ =	swait.ge [sflag:s4], $0x0  }
0x19: {  	s7 =	sld [smem:$0x3F9D]  }
0x1a: {  	s8 =	sadd.s32 $0xFFFFE003, lr  }
0x1b: {  	s9 =	sadd.s32 $0xFFFFFEF7, lr;
	s5 =	simm.s32 $0xFFFFFFFF;
	p2 =	slt.u32 s8, $0xFFFFF086  }
0x1c: {  	p1 =	slt.u32 s9, $0xF7A;
	s5 =	simm.s32 @!p2 $0x0  }
0x1d: {  	s5 =	simm.s32 @p1 $0x1;
	p0 =	seq.s32 s7, s2  }
0x1e: {  	s7 =	smul.u32 @!p0 $0xF7A, s2;
	p2 =	seq.s32 @!p0 s5, $0x0  }
0x1f: {  	s9 =	smul.u32 $0xF7A, s1;
	s8 =	simm.s32 @!p0 $0x1BF5;
	p2 =	por !p2, p0  }
0x20: {  	[sflag:s8] =	ssyncset.s32 @!p0 $0xFFFFF086;
	s6 =	sadd.s32 @!p0 s3, s7;
	s7 =	simm.s32 @!p0 $0x108  }
0x21: {  	s3 =	sadd.s32 s3, s9;
	s6 =	sadd.s32 @!p0 $0x88, s6;
	s7 =	simm.s32 @p2 $0x1082  }
0x22: {  	[simem:s7], [sflag:s8] =	dma.local @!p0 [hbm:s6], $0xF7A  }
0x23: {  	s9 =	sor.u32 $0xD0000000, s2;
	s6 =	simm.s32 $0x108;
	_ =	swait.ge @!p0 [sflag:s8], $0x0  }
0x24: {  	s3 =	sadd.s32 $0x88, s3;
	s6 =	simm.s32 @!p1 $0x1082;
	[sflag:s4] =	ssyncset.s32 $0xFFFFF086  }
0x25: {  	[simem:s6], [sflag:s4] =	dma.local [hbm:s3], $0xF7A  }
0x26: {  	[smem:$0x3F9D] =	sst s1;
	(tag) =	ssettag s2;
	_ =	strace s9  }
0x27: {  	s1 =	sld [smem:$0x3FAD]  }
0x28: {  	s2 =	sld [smem:$0x3FAE]  }
0x29: {  	s4 =	sld [smem:$0x3FB0]  }
0x2a: {  	p0 =	seq.s32 s5, $0x0;
	s5 =	sld [smem:$0x3FB1]  }
0x2b: {  	s6 =	sld [smem:$0x3FB2]  }
0x2c: {  	s7 =	sld [smem:$0x3FB3]  }
0x2d: {  	s3 =	simm.s32 $0x108;
	s8 =	sld [smem:$0x3FB4]  }
0x2e: {  	s3 =	simm.s32 @!p0 $0x1082;
	s9 =	sld [smem:$0x3FB5]  }
0x2f: {  	lr =	sadd.s32 s0, s3;
	s0 =	sld [smem:$0x3FAC]  }
0x30: {  	s3 =	sld [smem:$0x3FAF]  }
0x31: {  	[smem:$0x3FB8] =	sst s10  }
0x32: {  	s10 =	sld [smem:$0x3FB6];
	_ =	sdelay $0x3  }
0x33: {  	p0 =	seq.s32 s10, $0x1;
	s10 =	sld [smem:$0x3FB8];
	_ =	sdelay $0x3  }
0x34: {  	[smem:$0x3FB8] =	sst s10  }
0x35: {  	s10 =	sld [smem:$0x3FB7];
	_ =	sdelay $0x3  }
0x36: {  	p1 =	seq.s32 s10, $0x1;
	s10 =	sld [smem:$0x3FB8];
	_ =	sdelay $0x3  }
0x37: {  	[smem:$0x3FB8] =	sst s10  }
0x38: {  	s10 =	sld [smem:$0x3FB9]  }
0x39: {  	_ = 	snop;
	(pc) =	sbr.ind lr, $3  }
0x3a: {  	_ = 	snop  }
0x3b: {  	_ = 	snop  }
0x3c: {  	p2 =	seq.s32 s10, $0x1;
	s10 =	sld [smem:$0x3FB8]  }
0x3d: {  	_ =	shalt  }
0x3e: {  	_ =	shalt  }
0x3f: {  	_ =	shalt  }
0x40: {  	_ =	shalt  }
0x41: {  	_ =	shalt  }
0x42: {  	_ =	shalt  }
0x43: {  	_ =	shalt  }
0x44: {  	_ =	shalt  }
0x45: {  	_ =	shalt  }
0x46: {  	_ =	shalt  }
0x47: {  	_ =	shalt  }
0x48: {  	_ =	shalt  }
0x49: {  	_ =	shalt  }
0x4a: {  	_ =	shalt  }
0x4b: {  	_ =	shalt  }
0x4c: {  	_ =	shalt  }
0x4d: {  	_ =	shalt  }
0x4e: {  	_ =	shalt  }
0x4f: {  	_ =	shalt  }
0x50: {  	_ =	shalt  }
0x51: {  	_ =	shalt  }
0x52: {  	_ =	shalt  }
0x53: {  	_ =	shalt  }
0x54: {  	_ =	shalt  }
0x55: {  	_ =	shalt  }
0x56: {  	_ =	shalt  }
0x57: {  	_ =	shalt  }
0x58: {  	_ =	shalt  }
0x59: {  	_ =	shalt  }
0x5a: {  	_ =	shalt  }
0x5b: {  	_ =	shalt  }
0x5c: {  	_ =	shalt  }
0x5d: {  	_ =	shalt  }
0x5e: {  	_ =	shalt  }
0x5f: {  	_ =	shalt  }
0x60: {  	_ =	shalt  }
0x61: {  	_ =	shalt  }
0x62: {  	_ =	shalt  }
0x63: {  	_ =	shalt  }
0x64: {  	_ =	shalt  }
0x65: {  	_ =	shalt  }
0x66: {  	_ =	shalt  }
0x67: {  	_ =	shalt  }
0x68: {  	_ =	shalt  }
0x69: {  	_ =	shalt  }
0x6a: {  	_ =	shalt  }
0x6b: {  	_ =	shalt  }
0x6c: {  	_ =	shalt  }
0x6d: {  	_ =	shalt  }
0x6e: {  	_ =	shalt  }
0x6f: {  	_ =	shalt  }
0x70: {  	_ =	shalt  }
0x71: {  	_ =	shalt  }
0x72: {  	_ =	shalt  }
0x73: {  	_ =	shalt  }
0x74: {  	_ =	shalt  }
0x75: {  	_ =	shalt  }
0x76: {  	_ =	shalt  }
0x77: {  	_ =	shalt  }
0x78: {  	_ =	shalt  }
0x79: {  	_ =	shalt  }
0x7a: {  	_ =	shalt  }
0x7b: {  	_ =	shalt  }
0x7c: {  	_ =	shalt  }
0x7d: {  	_ =	shalt  }
0x7e: {  	_ =	shalt  }
0x7f: {  	_ =	shalt  }
0x80: {  	_ =	shalt  }
0x81: {  	_ =	shalt  }
0x82: {  	_ =	shalt  }
0x83: {  	_ =	shalt  }
0x84: {  	_ =	shalt  }
0x85: {  	_ =	shalt  }
0x86: {  	_ =	shalt  }
0x87: {  	_ =	shalt  }
.Lfunc_end0:
.L_simem_size_0:
called_computation_lowered:
.L_overlay_start_0:
0x88: {  	s2 =	sld [smem:$0x3FD9]  }
0x89: {  	s3 =	sld [smem:$0x3FFE];
	_ =	sdelay $0x1  }
0x8a: {  	s1 =	srdreg.scid  }
0x8b: {  	s0 =	sand.u32 $0x1, s1  }
0x8c: {  	s17 =	sshll.u32 s0, $0xA;
	s2 =	sadd.s32 s3, s2  }
0x8d: {  	s2 =	sadd.s32 s2, s17  }
0x8e: {  	[smem:$0x3FC4] =	sst s2  }
0x8f: {  	_ = 	snop  }
0x90: {  	s2 =	sld [smem:$0x3FD0];
	(tm) =	ssettm $0x1  }
0x91: {  	s18 =	sld [smem:$0x3FFB];
	_ =	sdelay $0x3  }
0x92: {  	_ =	strace s18  }
0x93: {  	s3 =	sld [smem:$0x3FFC];
	_ =	sdelay $0x3  }
0x94: {  	_ =	strace s3  }
0x95: {  	s3 =	sld [smem:$0x3FFD];
	_ =	sdelay $0x3  }
0x96: {  	_ =	strace s3  }
0x97: {  	_ =	strace $0x8FFFFFFF  }
0x98: {  	s19 =	sld [smem:$0x3FDB];
	_ =	sdelay $0x1  }
0x99: {  	s4 =	simm.s32 $_scs_section_size  }
0x9a: {  	s5 =	simm.s32 $_size__tile_overlayer_lowered;
	s6 =	simm.s32 $_tile_overlayer_lowered  }
0x9b: {  	s22 =	simm.s32 $0x1BFF;
	s21 =	sshll.u32 s6, $0x1;
	s3 =	sadd.s32 s4, s19  }
0x9c: {  	s7 =	simm.s32 $0x0;
	s20 =	sshll.u32 s5, $0x1;
	s5 =	sadd.s32 s21, s3  }
0x9d: {  	[timem:s7], [sflag:s22] =	dma.local [hbm:s5], s20  }
0x9e: {  	_ =	swait.ge [sflag:s22], s20  }
0x9f: {  	s4 =	ssub.s32 $0x0, s20;
	[sflag:s22] =	ssyncset.done $0x0  }
0xa0: {  	[sflag:s22] =	ssyncadd.s32 s4;
	_ =	sdelay $0x1  }
0xa1: {  	s23 =	simm.s32 $0x1B8B  }
0xa2: {  	_ =	swait.ge [sflag:s23], $0x1  }
0xa3: {  	[sflag:s23] =	ssyncset.done $0x0  }
0xa4: {  	s25 =	simm.s32 $0x1B8E;
	s24 =	sld [smem:$0x3FFE];
	[sflag:s23] =	ssyncadd.s32 $0xFFFFFFFF  }
0xa5: {  	s26 =	simm.s32 $execute0_lowered;
	[smem:$0x3FD2] =	sst s25  }
0xa6: {  	s5 =	sshll.u32 s26, $0x1;
	_ =	strace $0x80000046;
	[dreg:$0x1] =	wrdreg $0xFFFFFFFF  }
0xa7: {  	s28 =	simm.s32 $_size_execute0_lowered;
	s3 =	sadd.s32 s3, s5;
	[dreg:$0x0] =	wrdreg $0x0  }
0xa8: {  	s5 =	sshll.u32 s28, $0x1;
	[dreg:$0x2] =	wrdreg s3  }
0xa9: {  	[dreg:$0x3] =	wrdreg s5  }
0xaa: {  	[dreg:$0x4] =	wrdreg $0xC0  }
0xab: {  	_ =	task [dreg:s7], $0x5FFFF  }
0xac: {  	[dreg:$0x1] =	wrdreg $0xFFFFFFFF  }
0xad: {  	[dreg:$0x0] =	wrdreg $0x60  }
0xae: {  	[dreg:$0x2] =	wrdreg s24  }
0xaf: {  	[dreg:$0x3] =	wrdreg s2  }
0xb0: {  	[dreg:$0x4] =	wrdreg $0x9  }
0xb1: {  	_ =	task.clear_ibuf [dreg:s7], $0x5FFFF;
	_ =	strace $0x90000046  }
0xb2: {  	s29 =	simm.s32 $0x9;
	_ =	strace $0x80000048  }
0xb3: {  	_ =	swait.ge [sflag:s29], $0x1  }
0xb4: {  	[sflag:s29] =	ssyncadd.s32 $0xFFFFFFFF  }
0xb5: {  	_ =	strace $0x90000048  }
0xb6: {  	_ =	sfence  }
0xb7: {  	s30 =	sld [smem:$0x0];
	_ =	sdelay $0x2  }
0xb8: {  	s31 =	sshll.u32 s1, $0xD;
	s1 =	sshrl.u32 s1, $0x2  }
0xb9: {  	s3 =	sand.u32 $0x4000, s31;
	s1 =	sadd.s32 s1, s30  }
0xba: {  	s0 =	sor.u32 s3, s0;
	s1 =	sshll.u32 s1, $0x11  }
0xbb: {  	s0 =	sor.u32 s1, s0  }
0xbc: {  	s0 =	sadd.s32 $0x8F2B, s0  }
0xbd: {  	[sflag:s0] =	ssyncadd.remote.s32 $0x1  }
0xbe: {  	_ =	sfence.sel $0xFFFF  }
0xbf: {  	[dreg:$0x0] =	wrdreg $0xFFFFFFFF;
	(pc) =	sbr.abs _section_cstart, $3  }
0xc0: {  	[dreg:$0x1] =	wrdreg $0xFFFFFFFF  }
0xc1: {  	_ =	task.clear_ibuf [dreg:s7], $0x2FFFF;
	_ =	strace $0x9FFFFFFF  }
0xc2: {  	(tm) =	ssettm $0x7FFFFFFF  }
0xc3: {  	_ =	shalt  }
tec
execute0_lowered:
.L_overlay_start_1:
0x0: {  	(tag) =	ssettag $0x1  }
0x1: {  	s1 =	srdreg.scid;
	s3 =	rddreg [dreg:$0x0]  }
0x2: {  	s0 =	stileid.u32;
	s5 =	rddreg [dreg:$0x1];
	s2 =	simm.s32 $0x0  }
0x3: {  	s9 =	simm.s32 $0x6800;
	s10 =	simm.s32 $0x68;
	s11 =	simm.s32 $0x8100  }
0x4: {  	s12 =	simm.s32 $0x1;
	s13 =	simm.s32 $0x9A00;
	s14 =	simm.s32 $0xB300  }
0x5: {  	s15 =	simm.s32 $0x2;
	s16 =	simm.s32 $0xCC00;
	s17 =	simm.s32 $0x0  }
0x6: {  	s4 =	sand.u32 $0x1, s1;
	s31 =	sshll.u32 s0, $0x1;
	s1 =	rddreg [dreg:$0x2]  }
0x7: {  	[smem:$0x7FF] =	sst s2;
	s6 =	sor.u32 s4, s31;
	s4 =	ssub.s32 $0x2, s4  }
0x8: {  	s7 =	smul.u32 $0xD00, s6;
	s8 =	sshrl.u32 s4, $0x1;
	s6 =	sshll.u32 s6, $0xA  }
0x9: {  	_ =	strace $0x80000047;
	s8 =	ssub.s32 s4, s8;
	s5 =	sadd.s32 s5, s6  }
0xa: {  	s7 =	sadd.s32 s7, s3;
	s3 =	sadd.s32 $0xF42E00, s3;
	s6 =	smax.u32 s8, $0x1  }
0xb: {  	s8 =	simm.s32 $0x64;
	s4 =	sadd.s32 $0xA00, s7;
	s7 =	simm.s32 $0x3  }
.LBB2_1:
0xc: {  	[tilespmem:s2], [sflag:$0x3] =	stream.linear.gather [hbm4b:s4+s2], $0x6800, $0x38;
	[tilespmem:$0xEC00] =	vst v63  }
0xd: {  	_ =	swait.ge [sflag:s7], $0x6800  }
0xe: {  	[sflag:s7] =	ssyncset.done $0x0  }
0xf: {  	[sflag:s7] =	ssyncadd.s32 $0xFFFF9800  }
0x10: {  	[tilespmem:s9], [sflag:$0x1] =	stream.indirect.gather [hbm4b:s3+s8], $0x40, s2, s8, $0xb8;
	[tilespmem:$0xEC00] =	vst v63  }
0x11: {  	s18 =	simm.s32 $0x0  }
0x12: {  	[tilespmem:s11], [sflag:$0x1] =	stream.indirect.gather [hbm4b:s3+s8], $0x40, s10, s8, $0xb8;
	[tilespmem:$0xEC00] =	vst v63  }
.LBB2_2:
0x13: {  	_ =	swait.ge [sflag:s12], $0x1900  }
0x14: {  	[sflag:s12] =	ssyncset.done $0x0  }
0x15: {  	s19 =	sshllo.u32 s18, $0x1;
	[sflag:s12] =	ssyncadd.s32 $0xFFFFE700  }
0x16: {  	s20 =	smul.u32 $0x340, s19;
	_ =	swait.ge [sflag:s12], $0x1900  }
0x17: {  	[sflag:s12] =	ssyncset.done $0x0  }
0x18: {  	s20 =	sshra.s32 s20, $0x2;
	[sflag:s12] =	ssyncadd.s32 $0xFFFFE700  }
0x19: {  	[tilespmem:s13], [sflag:$0x2] =	stream.indirect.gather [hbm4b:s3+s8], $0x40, s20, s8, $0xb8;
	[tilespmem:$0xEC00] =	vst v63  }
0x1a: {  	s21 =	simm.s32 $0x81F0;
	s20 =	sadd.s32 $0x68, s20  }
0x1b: {  	[tilespmem:s14], [sflag:$0x2] =	stream.indirect.gather [hbm4b:s3+s8], $0x40, s20, s8, $0xb8;
	[tilespmem:$0xEC00] =	vst v63  }
0x1c: {  	v4 =	vld [tilespmem:s21+$0xFFFFE6D0]  }
0x1d: {  	v5 =	vld [tilespmem:s21+$0xFFFFE6E0]  }
0x1e: {  	v10 =	vld [tilespmem:s21+$0xFFFFE6F0]  }
0x1f: {  	v11 =	vld [tilespmem:s21+$0xFFFFE700]  }
0x20: {  	v0 =	vld [tilespmem:s21+$0xFFFFFFD0]  }
0x21: {  	v1 =	vld [tilespmem:s21+$0xFFFFFFE0]  }
0x22: {  	v6 =	vld [tilespmem:s21+$0xFFFFE690]  }
0x23: {  	v7 =	vld [tilespmem:s21+$0xFFFFE6A0]  }
0x24: {  	v9 =	vld [tilespmem:s21+$0xFFFFE6B0]  }
0x25: {  	v12 =	vld [tilespmem:s21+$0xFFFFE6C0]  }
0x26: {  	v2 =	vld [tilespmem:s21+$0xFFFFFF90]  }
0x27: {  	v3 =	vld [tilespmem:s21+$0xFFFFFFA0]  }
0x28: {  	v8 =	vld [tilespmem:s21+$0xFFFFE650]  }
0x29: {  	v13 =	vld [tilespmem:s21+$0xFFFFE660]  }
0x2a: {  	v14 =	vld [tilespmem:s21+$0xFFFFE610]  }
0x2b: {  	v15 =	vld [tilespmem:s21+$0xFFFFE620]  }
0x2c: {  	v16 =	vld [tilespmem:s21+$0xFFFFE630]  }
0x2d: {  	v17 =	vld [tilespmem:s21+$0xFFFFE640]  }
0x2e: {  	v18 =	vld [tilespmem:s21+$0xFFFFE670]  }
0x2f: {  	v19 =	vld [tilespmem:s21+$0xFFFFE680]  }
0x30: {  	v20 =	vimm.f32 $0.0e+00;
	v21 =	vld [tilespmem:s21+$0xFFFFFF50]  }
0x31: {  	v22 =	vld [tilespmem:s21+$0xFFFFFF60];
	v14 =	vadd.f32 v14, v20;
	v15 =	vadd.f32 v15, v20  }
0x32: {  	v23 =	vld [tilespmem:s21+$0xFFFFFF10];
	v16 =	vadd.f32 v16, v20;
	v17 =	vadd.f32 v17, v20  }
0x33: {  	v8 =	vadd.f32 v8, v14;
	v13 =	vadd.f32 v13, v15;
	v14 =	vld [tilespmem:s21+$0xFFFFFF20]  }
0x34: {  	v15 =	vadd.f32 v18, v16;
	v16 =	vadd.f32 v19, v17;
	v17 =	vld [tilespmem:s21+$0xFFFFFF30]  }
0x35: {  	v18 =	vld [tilespmem:s21+$0xFFFFFF40];
	v6 =	vadd.f32 v6, v8;
	v13 =	vadd.f32 v7, v13  }
0x36: {  	v8 =	vld [tilespmem:s21+$0xFFFFFF70];
	v15 =	vadd.f32 v9, v15;
	v12 =	vadd.f32 v12, v16  }
0x37: {  	v9 =	vld [tilespmem:s21+$0xFFFFFF80];
	v7 =	vadd.f32 v4, v6;
	v6 =	vadd.f32 v5, v13  }
0x38: {  	v5 =	vadd.f32 v10, v15;
	v4 =	vadd.f32 v11, v12;
	v10 =	vld [tilespmem:s21+$0xFFFFFFB0]  }
0x39: {  	v13 =	vadd.f32 v23, v20;
	v12 =	vld [tilespmem:s21+$0xFFFFFFC0];
	v16 =	vadd.f32 v14, v20  }
0x3a: {  	v11 =	vld [tilespmem:s21+$0xFFFFFFF0];
	v15 =	vadd.f32 v17, v20;
	v14 =	vadd.f32 v18, v20  }
0x3b: {  	s20 =	simm.s32 $0x0;
	v17 =	vadd.f32 v21, v13;
	v13 =	vld [tilespmem:s21+$0x0];
	s21 =	simm.s32 $0x82F0;
	v16 =	vadd.f32 v22, v16  }
.LBB2_3:
0x3c: {  	v18 =	vld [tilespmem:s21+$0xFFFFE6D0];
	v8 =	vadd.f32 v8, v15;
	v9 =	vadd.f32 v9, v14  }
0x3d: {  	v14 =	vld [tilespmem:s21+$0xFFFFE6E0];
	v2 =	vadd.f32 v2, v17;
	v3 =	vadd.f32 v3, v16  }
0x3e: {  	v15 =	vld [tilespmem:s21+$0xFFFFE6F0];
	v8 =	vadd.f32 v10, v8;
	v9 =	vadd.f32 v12, v9  }
0x3f: {  	v10 =	vld [tilespmem:s21+$0xFFFFE700];
	v12 =	vadd.f32 v0, v2;
	v16 =	vadd.f32 v1, v3  }
0x40: {  	v0 =	vld [tilespmem:s21+$0xFFFFFFD0];
	v11 =	vadd.f32 v11, v8;
	v13 =	vadd.f32 v13, v9  }
0x41: {  	v1 =	vld [tilespmem:s21+$0xFFFFFFE0]  }
0x42: {  	v8 =	vld [tilespmem:s21+$0xFFFFE690]  }
0x43: {  	v9 =	vld [tilespmem:s21+$0xFFFFE6A0]  }
0x44: {  	v17 =	vld [tilespmem:s21+$0xFFFFE6B0]  }
0x45: {  	v19 =	vld [tilespmem:s21+$0xFFFFE6C0]  }
0x46: {  	v2 =	vld [tilespmem:s21+$0xFFFFFF90]  }
0x47: {  	v3 =	vld [tilespmem:s21+$0xFFFFFFA0]  }
0x48: {  	v20 =	vld [tilespmem:s21+$0xFFFFE650]  }
0x49: {  	v21 =	vld [tilespmem:s21+$0xFFFFE660]  }
0x4a: {  	v22 =	vld [tilespmem:s21+$0xFFFFE610]  }
0x4b: {  	v23 =	vld [tilespmem:s21+$0xFFFFE620]  }
0x4c: {  	v24 =	vld [tilespmem:s21+$0xFFFFE630]  }
0x4d: {  	v25 =	vld [tilespmem:s21+$0xFFFFE640]  }
0x4e: {  	v26 =	vld [tilespmem:s21+$0xFFFFE670]  }
0x4f: {  	v27 =	vld [tilespmem:s21+$0xFFFFE680]  }
0x50: {  	v28 =	vld [tilespmem:s21+$0xFFFFFF50]  }
0x51: {  	v7 =	vadd.f32 v22, v7;
	v6 =	vadd.f32 v23, v6;
	v22 =	vld [tilespmem:s21+$0xFFFFFF60]  }
0x52: {  	v5 =	vadd.f32 v24, v5;
	v4 =	vadd.f32 v25, v4;
	v23 =	vld [tilespmem:s21+$0xFFFFFF10]  }
0x53: {  	v7 =	vadd.f32 v20, v7;
	v6 =	vadd.f32 v21, v6;
	v20 =	vld [tilespmem:s21+$0xFFFFFF20]  }
0x54: {  	v5 =	vadd.f32 v26, v5;
	v4 =	vadd.f32 v27, v4;
	v21 =	vld [tilespmem:s21+$0xFFFFFF30]  }
0x55: {  	s20 =	sadd.s32 $0x2, s20;
	v7 =	vadd.f32 v8, v7;
	v6 =	vadd.f32 v9, v6;
	v24 =	vld [tilespmem:s21+$0xFFFFFF40]  }
0x56: {  	p0 =	slt.u32 s20, $0x30;
	v5 =	vadd.f32 v17, v5;
	v8 =	vld [tilespmem:s21+$0xFFFFFF70];
	v4 =	vadd.f32 v19, v4  }
.Ltmp0:
0x57: {  	v7 =	vadd.f32 v18, v7;
	v6 =	vadd.f32 v14, v6;
	v9 =	vld [tilespmem:s21+$0xFFFFFF80];
	(pc) =	sbr.rel @p0 .LBB2_3-.Ltmp0, $4  }
0x58: {  	v5 =	vadd.f32 v15, v5;
	v4 =	vadd.f32 v10, v4;
	v10 =	vld [tilespmem:s21+$0xFFFFFFB0]  }
0x59: {  	v17 =	vadd.f32 v23, v12;
	v16 =	vadd.f32 v20, v16;
	v12 =	vld [tilespmem:s21+$0xFFFFFFC0]  }
0x5a: {  	v15 =	vadd.f32 v21, v11;
	v14 =	vadd.f32 v24, v13;
	v11 =	vld [tilespmem:s21+$0xFFFFFFF0]  }
0x5b: {  	v17 =	vadd.f32 v28, v17;
	v16 =	vadd.f32 v22, v16;
	v13 =	vld [tilespmem:s21+$0x0];
	s21 =	sadd.s32 $0x100, s21  }
0x5c: {  	_ = 	snop  }
0x5d: {  	v8 =	vadd.f32 v8, v15;
	v2 =	vadd.f32 v2, v17  }
0x5e: {  	v9 =	vadd.f32 v9, v14;
	v3 =	vadd.f32 v3, v16  }
0x5f: {  	v8 =	vadd.f32 v10, v8;
	v0 =	vadd.f32 v0, v2  }
0x60: {  	v2 =	vadd.f32 v12, v9;
	v1 =	vadd.f32 v1, v3  }
0x61: {  	s20 =	sshll.u32 s18, $0x7;
	v3 =	vadd.f32 v11, v8;
	v0 =	vadd.f32 v0, v7  }
0x62: {  	s20 =	sand.u32 $0x3FFFFF80, s20;
	v2 =	vadd.f32 v13, v2;
	v1 =	vadd.f32 v1, v6  }
0x63: {  	[tilespmem:s20+$0xCC00] =	vst v0;
	v0 =	vadd.f32 v3, v5  }
0x64: {  	[tilespmem:s20+$0xCC10] =	vst v1;
	v1 =	vadd.f32 v2, v4  }
0x65: {  	[tilespmem:s20+$0xCC20] =	vst v0  }
0x66: {  	[tilespmem:s20+$0xCC30] =	vst v1  }
0x67: {  	_ =	swait.ge [sflag:s15], $0x1900  }
0x68: {  	p0 =	seq.s32 s18, $0x3F;
	[sflag:s15] =	ssyncset.done $0x0  }
0x69: {  	s20 =	smul.u32 @!p0 $0x680, s18;
	[sflag:s15] =	ssyncadd.s32 $0xFFFFE700  }
0x6a: {  	_ =	swait.ge [sflag:s15], $0x1900  }
0x6b: {  	s22 =	simm.s32 @!p0 $0x64;
	s20 =	sshra.s32 @!p0 s20, $0x2;
	[sflag:s15] =	ssyncset.done $0x0  }
0x6c: {  	s23 =	simm.s32 @!p0 $0x6800;
	s21 =	sadd.s32 @!p0 $0x1A0, s20;
	[sflag:s15] =	ssyncadd.s32 $0xFFFFE700  }
0x6d: {  	[tilespmem:s23], [sflag:$0x1] =	stream.indirect.gather @!p0 [hbm4b:s3+s22], $0x40, s21, s22, $0xb8;
	[tilespmem:$0xEC00] =	vst v63  }
0x6e: {  	s31 =	simm.s32 $0xB3F0;
	s20 =	sadd.s32 @!p0 $0x208, s20;
	s21 =	simm.s32 @!p0 $0x8100  }
0x6f: {  	[tilespmem:s21], [sflag:$0x1] =	stream.indirect.gather @!p0 [hbm4b:s3+s22], $0x40, s20, s22, $0xb8;
	[tilespmem:$0xEC00] =	vst v63  }
0x70: {  	v4 =	vld [tilespmem:s31+$0xFFFFE6D0]  }
0x71: {  	v5 =	vld [tilespmem:s31+$0xFFFFE6E0]  }
0x72: {  	v10 =	vld [tilespmem:s31+$0xFFFFE6F0]  }
0x73: {  	v11 =	vld [tilespmem:s31+$0xFFFFE700]  }
0x74: {  	v0 =	vld [tilespmem:s31+$0xFFFFFFD0]  }
0x75: {  	v1 =	vld [tilespmem:s31+$0xFFFFFFE0]  }
0x76: {  	v6 =	vld [tilespmem:s31+$0xFFFFE690]  }
0x77: {  	v7 =	vld [tilespmem:s31+$0xFFFFE6A0]  }
0x78: {  	v9 =	vld [tilespmem:s31+$0xFFFFE6B0]  }
0x79: {  	v12 =	vld [tilespmem:s31+$0xFFFFE6C0]  }
0x7a: {  	v2 =	vld [tilespmem:s31+$0xFFFFFF90]  }
0x7b: {  	v3 =	vld [tilespmem:s31+$0xFFFFFFA0]  }
0x7c: {  	v8 =	vld [tilespmem:s31+$0xFFFFE650]  }
0x7d: {  	v13 =	vld [tilespmem:s31+$0xFFFFE660]  }
0x7e: {  	v14 =	vld [tilespmem:s31+$0xFFFFE610]  }
0x7f: {  	v15 =	vld [tilespmem:s31+$0xFFFFE620]  }
0x80: {  	v16 =	vld [tilespmem:s31+$0xFFFFE630]  }
0x81: {  	v17 =	vld [tilespmem:s31+$0xFFFFE640]  }
0x82: {  	v18 =	vld [tilespmem:s31+$0xFFFFE670]  }
0x83: {  	v19 =	vld [tilespmem:s31+$0xFFFFE680]  }
0x84: {  	v20 =	vimm.f32 $0.0e+00;
	v21 =	vld [tilespmem:s31+$0xFFFFFF50]  }
0x85: {  	v22 =	vld [tilespmem:s31+$0xFFFFFF60];
	v14 =	vadd.f32 v14, v20;
	v15 =	vadd.f32 v15, v20  }
0x86: {  	v23 =	vld [tilespmem:s31+$0xFFFFFF10];
	v16 =	vadd.f32 v16, v20;
	v17 =	vadd.f32 v17, v20  }
0x87: {  	v8 =	vadd.f32 v8, v14;
	v13 =	vadd.f32 v13, v15;
	v14 =	vld [tilespmem:s31+$0xFFFFFF20]  }
0x88: {  	v15 =	vadd.f32 v18, v16;
	v16 =	vadd.f32 v19, v17;
	v17 =	vld [tilespmem:s31+$0xFFFFFF30]  }
0x89: {  	v18 =	vld [tilespmem:s31+$0xFFFFFF40];
	v6 =	vadd.f32 v6, v8;
	v13 =	vadd.f32 v7, v13  }
0x8a: {  	v8 =	vld [tilespmem:s31+$0xFFFFFF70];
	v15 =	vadd.f32 v9, v15;
	v12 =	vadd.f32 v12, v16  }
0x8b: {  	v9 =	vld [tilespmem:s31+$0xFFFFFF80];
	v7 =	vadd.f32 v4, v6;
	v6 =	vadd.f32 v5, v13  }
0x8c: {  	v5 =	vadd.f32 v10, v15;
	v4 =	vadd.f32 v11, v12;
	v10 =	vld [tilespmem:s31+$0xFFFFFFB0]  }
0x8d: {  	v13 =	vadd.f32 v23, v20;
	v12 =	vld [tilespmem:s31+$0xFFFFFFC0];
	v16 =	vadd.f32 v14, v20  }
0x8e: {  	v11 =	vld [tilespmem:s31+$0xFFFFFFF0];
	v15 =	vadd.f32 v17, v20;
	v14 =	vadd.f32 v18, v20  }
0x8f: {  	s20 =	simm.s32 $0x0;
	s21 =	simm.s32 $0xB4F0;
	v17 =	vadd.f32 v21, v13;
	v13 =	vld [tilespmem:s31+$0x0];
	v16 =	vadd.f32 v22, v16  }
.LBB2_5:
0x90: {  	v18 =	vld [tilespmem:s21+$0xFFFFE6D0];
	v8 =	vadd.f32 v8, v15;
	v9 =	vadd.f32 v9, v14  }
0x91: {  	v14 =	vld [tilespmem:s21+$0xFFFFE6E0];
	v2 =	vadd.f32 v2, v17;
	v3 =	vadd.f32 v3, v16  }
0x92: {  	v15 =	vld [tilespmem:s21+$0xFFFFE6F0];
	v8 =	vadd.f32 v10, v8;
	v9 =	vadd.f32 v12, v9  }
0x93: {  	v10 =	vld [tilespmem:s21+$0xFFFFE700];
	v12 =	vadd.f32 v0, v2;
	v16 =	vadd.f32 v1, v3  }
0x94: {  	v0 =	vld [tilespmem:s21+$0xFFFFFFD0];
	v11 =	vadd.f32 v11, v8;
	v13 =	vadd.f32 v13, v9  }
0x95: {  	v1 =	vld [tilespmem:s21+$0xFFFFFFE0]  }
0x96: {  	v8 =	vld [tilespmem:s21+$0xFFFFE690]  }
0x97: {  	v9 =	vld [tilespmem:s21+$0xFFFFE6A0]  }
0x98: {  	v17 =	vld [tilespmem:s21+$0xFFFFE6B0]  }
0x99: {  	v19 =	vld [tilespmem:s21+$0xFFFFE6C0]  }
0x9a: {  	v2 =	vld [tilespmem:s21+$0xFFFFFF90]  }
0x9b: {  	v3 =	vld [tilespmem:s21+$0xFFFFFFA0]  }
0x9c: {  	v20 =	vld [tilespmem:s21+$0xFFFFE650]  }
0x9d: {  	v21 =	vld [tilespmem:s21+$0xFFFFE660]  }
0x9e: {  	v22 =	vld [tilespmem:s21+$0xFFFFE610]  }
0x9f: {  	v23 =	vld [tilespmem:s21+$0xFFFFE620]  }
0xa0: {  	v24 =	vld [tilespmem:s21+$0xFFFFE630]  }
0xa1: {  	v25 =	vld [tilespmem:s21+$0xFFFFE640]  }
0xa2: {  	v26 =	vld [tilespmem:s21+$0xFFFFE670]  }
0xa3: {  	v27 =	vld [tilespmem:s21+$0xFFFFE680]  }
0xa4: {  	v28 =	vld [tilespmem:s21+$0xFFFFFF50]  }
0xa5: {  	v7 =	vadd.f32 v22, v7;
	v6 =	vadd.f32 v23, v6;
	v22 =	vld [tilespmem:s21+$0xFFFFFF60]  }
0xa6: {  	v5 =	vadd.f32 v24, v5;
	v4 =	vadd.f32 v25, v4;
	v23 =	vld [tilespmem:s21+$0xFFFFFF10]  }
0xa7: {  	v7 =	vadd.f32 v20, v7;
	v6 =	vadd.f32 v21, v6;
	v20 =	vld [tilespmem:s21+$0xFFFFFF20]  }
0xa8: {  	v5 =	vadd.f32 v26, v5;
	v4 =	vadd.f32 v27, v4;
	v21 =	vld [tilespmem:s21+$0xFFFFFF30]  }
0xa9: {  	s20 =	sadd.s32 $0x2, s20;
	v7 =	vadd.f32 v8, v7;
	v6 =	vadd.f32 v9, v6;
	v24 =	vld [tilespmem:s21+$0xFFFFFF40]  }
0xaa: {  	p0 =	slt.u32 s20, $0x30;
	v5 =	vadd.f32 v17, v5;
	v8 =	vld [tilespmem:s21+$0xFFFFFF70];
	v4 =	vadd.f32 v19, v4  }
.Ltmp1:
0xab: {  	v7 =	vadd.f32 v18, v7;
	v6 =	vadd.f32 v14, v6;
	v9 =	vld [tilespmem:s21+$0xFFFFFF80];
	(pc) =	sbr.rel @p0 .LBB2_5-.Ltmp1, $4  }
0xac: {  	v5 =	vadd.f32 v15, v5;
	v4 =	vadd.f32 v10, v4;
	v10 =	vld [tilespmem:s21+$0xFFFFFFB0]  }
0xad: {  	v17 =	vadd.f32 v23, v12;
	v16 =	vadd.f32 v20, v16;
	v12 =	vld [tilespmem:s21+$0xFFFFFFC0]  }
0xae: {  	v15 =	vadd.f32 v21, v11;
	v14 =	vadd.f32 v24, v13;
	v11 =	vld [tilespmem:s21+$0xFFFFFFF0]  }
0xaf: {  	v17 =	vadd.f32 v28, v17;
	v16 =	vadd.f32 v22, v16;
	v13 =	vld [tilespmem:s21+$0x0];
	s21 =	sadd.s32 $0x100, s21  }
0xb0: {  	_ = 	snop  }
0xb1: {  	v8 =	vadd.f32 v8, v15;
	v2 =	vadd.f32 v2, v17  }
0xb2: {  	v9 =	vadd.f32 v9, v14;
	v3 =	vadd.f32 v3, v16  }
0xb3: {  	v8 =	vadd.f32 v10, v8;
	v0 =	vadd.f32 v0, v2  }
0xb4: {  	s18 =	sadd.s32 $0x1, s18;
	v60 =	vadd.f32 v12, v9;
	v1 =	vadd.f32 v1, v3  }
0xb5: {  	s19 =	sshll.u32 s19, $0x6;
	p0 =	sne.s32 s18, $0x40;
	v61 =	vadd.f32 v11, v8;
	v0 =	vadd.f32 v0, v7  }
.Ltmp2:
0xb6: {  	s19 =	sand.u32 $0x3FFFFFC0, s19;
	v2 =	vadd.f32 v13, v60;
	v1 =	vadd.f32 v1, v6;
	(pc) =	sbr.rel @p0 .LBB2_2-.Ltmp2, $4  }
0xb7: {  	v62 =	vadd.f32 v61, v5;
	[tilespmem:s19+$0xCC00] =	vst v0  }
0xb8: {  	v63 =	vadd.f32 v2, v4;
	[tilespmem:s19+$0xCC10] =	vst v1  }
0xb9: {  	[tilespmem:s19+$0xCC20] =	vst v62  }
0xba: {  	[tilespmem:s19+$0xCC30] =	vst v63  }
0xbb: {  	s17 =	sadd.s32 $0x1, s17  }
0xbc: {  	p0 =	sne.s32 s17, s6  }
.Ltmp3:
0xbd: {  	_ = 	snop;
	(pc) =	sbr.rel @p0 .LBB2_1-.Ltmp3, $4  }
0xbe: {  	[hbm4b:s5+s2] =	stream.linear.scatter [tilespmem:s16], [sflag:$0x3], $0x2000, $0x38;
	[tilespmem:$0xEC00] =	vst v63  }
0xbf: {  	_ =	swait.ge [sflag:s7], $0x2000  }
0xc0: {  	[sflag:s7] =	ssyncset.done $0x0  }
0xc1: {  	[sflag:s7] =	ssyncadd.s32 $0xFFFFE000  }
0xc2: {  	_ =	sfence.sel $0x180000  }
0xc3: {  	[bflag:$0x0] =	sbarrier.arrive $0xFFFF  }
0xc4: {  	p0 =	sne.s32 s0, $0x0;
	_ =	strace $0x90000047  }
0xc5: {  	s0 =	sadd.s32 @!p0 $0x100000, s1;
	[bflag:$0x2] =	sbarrier.arrive $0xFFFF  }
0xc6: {  	[sflag:s0] =	ssyncadd.tile.s32 @!p0 $0x1;
	_ =	shalt  }
.Lfunc_end2:
_tile_overlayer_lowered:
.L_overlay_start_2:
0xc7: {  	(tag) =	ssettag $0x2  }
0xc8: {  	s0 =	rddreg [dreg:$0x0];
	s2 =	stileid.u32  }
0xc9: {  	s1 =	rddreg [dreg:$0x1];
	p0 =	sne.s32 s2, $0x0  }
0xca: {  	s3 =	rddreg [dreg:$0x2];
	[bflag:$0x3] =	sbarrier.arrive $0xFFFF;
	s2 =	simm.s32 @!p0 $0x1C03  }
0xcb: {  	[timem:s3], [sflag:s2] =	dma.local @!p0 [hbm:s0], s1  }
0xcc: {  	s0 =	simm.s32 @!p0 $0x3  }
0xcd: {  	_ =	swait.ge @!p0 [sflag:s0], s1  }
0xce: {  	s1 =	ssub.s32 @!p0 $0x0, s1;
	[sflag:s0] =	ssyncset.done @!p0 $0x0  }
0xcf: {  	[sflag:s0] =	ssyncadd.s32 @!p0 s1  }
0xd0: {  	[bflag:$0x3] =	sbarrier.arrive $0xFFFF  }
0xd1: {  	_ =	shalt  }

</sc_bundles>
